<compile_context>
chip_gen: v7x
topology: tpu7x:2x2x1
jax: 0.10.2.dev20260603
libtpu: 0.0.44.dev20260713+nightly
codegen_flags: <defaults>
</compile_context>

<pallas_src>
import functools

import jax
import jax.numpy as jnp
from jax import lax
from jax.experimental import pallas as pl
from jax.experimental.pallas import tpu as pltpu
from jax.experimental.pallas import tpu_sc as plsc

N = 100000
D = 128
G = 1024
B = 8
H = 128
HEAD_DIM = 1

NC = 2
NS = 16
NW = NC * NS
CH = 256
NFULL = N // CH
TAILA = 128
TAILB = 32
ROWS_PER_TILE = G // NS


def _pool_body(x_hbm, batch_hbm, sums_hbm, cnt_hbm,
               buf0, buf1, idx0, idx1, ones, zbuf, tbufa, tbufb, tidxa, tidxb,
               acc_sh, cnt_sh, sem0, sem1, isem0, isem1, ssem0, ssem1):
    c = lax.axis_index("c")
    s = lax.axis_index("s")
    wid = s * NC + c

    def _fill(r, _):
        for k in range(D // 16):
            ones[r, pl.ds(k * 16, 16)] = jnp.full((16,), 1.0, jnp.float32)

        @pl.when(r < ROWS_PER_TILE)
        def _z():
            for k in range(D // 16):
                zbuf[r, pl.ds(k * 16, 16)] = jnp.zeros((16,), jnp.float32)

        return 0

    lax.fori_loop(0, 128, _fill, 0)

    pltpu.sync_copy(zbuf, acc_sh.at[pl.ds(s * ROWS_PER_TILE, ROWS_PER_TILE)])
    pltpu.sync_copy(zbuf, cnt_sh.at[pl.ds(s * ROWS_PER_TILE, ROWS_PER_TILE)])
    plsc.subcore_barrier()

    nj = (NFULL - wid + NW - 1) // NW
    bufs = ((buf0, idx0, sem0, isem0, ssem0), (buf1, idx1, sem1, isem1, ssem1))

    def _drain_scatter(bufp, idxp, ssemp):
        for h in (0, 1):
            pltpu.make_async_copy(bufp.at[pl.ds(h * 128, 128)],
                                  acc_sh.at[idxp.at[h]], ssemp).wait()
            pltpu.make_async_copy(ones, cnt_sh.at[idxp.at[h]], ssemp).wait()

    def _issue(j, bufp, idxp, semp, isemp):
        base = (wid + j * NW) * CH
        pltpu.async_copy(x_hbm.at[pl.ds(base, CH)], bufp, semp)
        pltpu.async_copy(batch_hbm.at[pl.ds(base, 128)], idxp.at[0], isemp)
        pltpu.async_copy(batch_hbm.at[pl.ds(base + 128, 128)], idxp.at[1],
                         isemp)

    @pl.when(nj > 0)
    def _prologue():
        _issue(0, buf0, idx0, sem0, isem0)

    def _outer(j2, _):
        for b2 in (0, 1):
            j = j2 * 2 + b2
            bufp, idxp, semp, isemp, ssemp = bufs[b2]
            bufn, idxn, semn, isemn, ssemn = bufs[1 - b2]

            @pl.when(j < nj)
            def _do():
                @pl.when(j >= 1)
                def _drain_prev():
                    _drain_scatter(bufn, idxn, ssemn)

                @pl.when(j + 1 < nj)
                def _next():
                    _issue(j + 1, bufn, idxn, semn, isemn)

                base = (wid + j * NW) * CH
                pltpu.make_async_copy(x_hbm.at[pl.ds(base, CH)], bufp,
                                      semp).wait()
                pltpu.make_async_copy(batch_hbm.at[pl.ds(base, 128)],
                                      idxp.at[0], isemp).wait()
                pltpu.make_async_copy(batch_hbm.at[pl.ds(base, 128)],
                                      idxp.at[1], isemp).wait()
                for h in (0, 1):
                    pltpu.async_copy(bufp.at[pl.ds(h * 128, 128)],
                                     acc_sh.at[idxp.at[h]], ssemp, add=True)
                    pltpu.async_copy(ones, cnt_sh.at[idxp.at[h]], ssemp,
                                     add=True)

        return 0

    lax.fori_loop(0, (nj + 1) // 2, _outer, 0)

    for b2 in (0, 1):
        bufp, idxp, _semp, _isemp, ssemp = bufs[b2]

        @pl.when((nj >= 1) & (lax.rem(nj - 1, 2) == b2))
        def _drain_last():
            _drain_scatter(bufp, idxp, ssemp)

    @pl.when(wid == NW - 1)
    def _tail():
        base = NFULL * CH
        pltpu.sync_copy(batch_hbm.at[pl.ds(base, TAILA)], tidxa.at[0])
        pltpu.sync_copy(x_hbm.at[pl.ds(base, TAILA)], tbufa)
        pltpu.sync_copy(tbufa, acc_sh.at[tidxa.at[0]], add=True)
        pltpu.sync_copy(ones, cnt_sh.at[tidxa.at[0]], add=True)
        pltpu.sync_copy(batch_hbm.at[pl.ds(base + TAILA, TAILB)], tidxb.at[0])
        pltpu.sync_copy(x_hbm.at[pl.ds(base + TAILA, TAILB)], tbufb)
        pltpu.sync_copy(tbufb, acc_sh.at[tidxb.at[0]], add=True)
        pltpu.sync_copy(ones.at[pl.ds(0, TAILB)], cnt_sh.at[tidxb.at[0]],
                        add=True)

    plsc.subcore_barrier()

    pltpu.sync_copy(acc_sh.at[pl.ds(s * ROWS_PER_TILE, ROWS_PER_TILE)],
                    sums_hbm.at[c, pl.ds(s * ROWS_PER_TILE, ROWS_PER_TILE)])
    pltpu.sync_copy(cnt_sh.at[pl.ds(s * ROWS_PER_TILE, ROWS_PER_TILE)],
                    cnt_hbm.at[c, pl.ds(s * ROWS_PER_TILE, ROWS_PER_TILE)])


@functools.lru_cache(maxsize=1)
def _get_pool():
  return pl.kernel(
    _pool_body,
    out_type=(
        jax.ShapeDtypeStruct((NC, G, D), jnp.float32),
        jax.ShapeDtypeStruct((NC, G, D), jnp.float32),
    ),
    mesh=plsc.VectorSubcoreMesh(core_axis_name="c", subcore_axis_name="s",
                                num_cores=NC, num_subcores=NS),
    scratch_types=[
        pltpu.VMEM((CH, D), jnp.float32),
        pltpu.VMEM((CH, D), jnp.float32),
        pltpu.VMEM((2, 128), jnp.int32),
        pltpu.VMEM((2, 128), jnp.int32),
        pltpu.VMEM((128, D), jnp.float32),
        pltpu.VMEM((ROWS_PER_TILE, D), jnp.float32),
        pltpu.VMEM((TAILA, D), jnp.float32),
        pltpu.VMEM((TAILB, D), jnp.float32),
        pltpu.VMEM((1, TAILA), jnp.int32),
        pltpu.VMEM((1, TAILB), jnp.int32),
        pltpu.VMEM_SHARED((G, D), jnp.float32),
        pltpu.VMEM_SHARED((G, D), jnp.float32),
        pltpu.SemaphoreType.DMA,
        pltpu.SemaphoreType.DMA,
        pltpu.SemaphoreType.DMA,
        pltpu.SemaphoreType.DMA,
        pltpu.SemaphoreType.DMA,
        pltpu.SemaphoreType.DMA,
    ],
  )


def _dense_body(sums_ref, cnt_ref, ds_ref, Ws_ref, bs_ref, Wh_ref, bh_ref,
                head_ref, var_ref):
    sums = sums_ref[0] + sums_ref[1]
    counts = cnt_ref[0, :, 0:1] + cnt_ref[1, :, 0:1]
    xg = sums / jnp.maximum(counts, 1.0)
    ds = ds_ref[...]

    out = jnp.zeros((G, 2 * HEAD_DIM), jnp.float32)
    for b in range(B):
        h = jnp.dot(xg, Ws_ref[b], preferred_element_type=jnp.float32)
        h = jnp.maximum(h + bs_ref[b][None, :], 0.0)
        o = jnp.dot(h, Wh_ref[b], preferred_element_type=jnp.float32)
        o = o + bh_ref[b][None, :]
        out = jnp.where(ds == b, o, out)

    head_ref[...] = out[:, :HEAD_DIM]
    var_ref[...] = out[:, HEAD_DIM:] ** 2


_dense = pl.pallas_call(
    _dense_body,
    out_shape=(
        jax.ShapeDtypeStruct((G, HEAD_DIM), jnp.float32),
        jax.ShapeDtypeStruct((G, HEAD_DIM), jnp.float32),
    ),
)


@jax.jit
def kernel(x, batch, dataset_name, W_shared, b_shared, W_head, b_head):
    sums, cnt = _get_pool()(x, batch)
    head, var = _dense(sums, cnt, dataset_name, W_shared, b_shared,
                       W_head, b_head)
    return (head, var)

# --- scband reference (transcript-rebuilt; emitter-appended) ---
"""Pipeline reference for scband-multi-task-model-mp-74131135529565 (READ-ONLY COPY).

The authoritative reference and input builder live on the scoring server;
editing this copy changes nothing except your own understanding.
"""

import jax, jax.numpy as jnp
import numpy as np

N = 100000      # total nodes
D = 128         # node feature dim (in_channels)
G = 1024        # number of graphs in batch
B = 8           # num_branches (dataset-ID routed 'experts')
H = 128         # hidden_dim of shared branch MLP
HEAD_DIM = 1    # graph head output dim


def setup_inputs(seed: int = 0) -> dict:
    key = jax.random.key(seed)
    ks = jax.random.split(key, 8)
    x = jax.random.normal(ks[0], (N, D), dtype=jnp.float32)
    # sorted segment ids: nodes grouped consecutively by graph (torch_geometric batch convention)
    batch = jnp.sort(jax.random.randint(ks[1], (N,), 0, G, dtype=jnp.int32))
    # per-graph dataset id routes each graph to one branch (MoE-style routing)
    dataset_name = jax.random.randint(ks[2], (G, 1), 0, B, dtype=jnp.int32)
    # per-branch shared MLP + head MLP weights (graph_shared / heads_NN, one per branch)
    W_shared = jax.random.normal(ks[3], (B, D, H), dtype=jnp.float32) * 0.05
    b_shared = jnp.zeros((B, H), dtype=jnp.float32)
    W_head = jax.random.normal(ks[4], (B, H, 2 * HEAD_DIM), dtype=jnp.float32) * 0.05
    b_head = jnp.zeros((B, 2 * HEAD_DIM), dtype=jnp.float32)
    return {
        "x": x,
        "batch": batch,
        "dataset_name": dataset_name,
        "W_shared": W_shared,
        "b_shared": b_shared,
        "W_head": W_head,
        "b_head": b_head,
    }


def reference(x, batch, dataset_name, W_shared, b_shared, W_head, b_head):
    # _pool_graph_features: mean pooling over nodes per graph (segment reduce)
    counts = jax.ops.segment_sum(jnp.ones((x.shape[0],), dtype=x.dtype), batch, num_segments=G)
    sums = jax.ops.segment_sum(x, batch, num_segments=G)
    x_graph = sums / jnp.clip(counts, 1.0)[:, None]

    # multi-branch routing: each graph uses the branch selected by its dataset id
    # (equivalent math to the per-mask loop: head[mask] = headloc[branch](graph_shared[branch](x_graph[mask])))
    ds = dataset_name[:, 0]
    Ws = W_shared[ds]            # gather per-graph branch weights [G, D, H]
    bs = b_shared[ds]
    x_graph_head = jax.nn.relu(jnp.einsum('gd,gdh->gh', x_graph, Ws) + bs)
    Wh = W_head[ds]              # [G, H, 2*HEAD_DIM]
    bh = b_head[ds]
    output_head = jnp.einsum('gh,gho->go', x_graph_head, Wh) + bh

    head = output_head[:, :HEAD_DIM]
    headvar = (output_head[:, HEAD_DIM:] ** 2).astype(x.dtype)
    # var_output=1 -> return (outputs, outputs_var); single graph head
    return (head, headvar)

if __name__ == "__main__":
    import jax
    _d = setup_inputs()
    print(jax.jit(kernel)(*tuple(_d.values())))

</pallas_src>

<mosaic_0001>
#map = affine_map<(d0, d1) -> (0, 0)>
#map1 = affine_map<(d0, d1) -> (0)>
#map2 = affine_map<(d0, d1) -> (0, 0, 0)>
module attributes {stable_mosaic.version = 14 : i64} {
  func.func @_pool_body(%arg0: i32, %arg1: i32, %arg2: memref<100000x128xf32, #tpu.memory_space<hbm>>, %arg3: memref<100000xi32, #tpu.memory_space<hbm>>, %arg4: memref<2x1024x128xf32, #tpu.memory_space<hbm>>, %arg5: memref<2x1024x128xf32, #tpu.memory_space<hbm>>, %arg6: memref<256x128xf32, #tpu.memory_space<vmem>>, %arg7: memref<256x128xf32, #tpu.memory_space<vmem>>, %arg8: memref<2x128xi32, #tpu.memory_space<vmem>>, %arg9: memref<2x128xi32, #tpu.memory_space<vmem>>, %arg10: memref<128x128xf32, #tpu.memory_space<vmem>>, %arg11: memref<64x128xf32, #tpu.memory_space<vmem>>, %arg12: memref<128x128xf32, #tpu.memory_space<vmem>>, %arg13: memref<32x128xf32, #tpu.memory_space<vmem>>, %arg14: memref<1x128xi32, #tpu.memory_space<vmem>>, %arg15: memref<1x32xi32, #tpu.memory_space<vmem>>, %arg16: memref<1024x128xf32, #tpu.memory_space<vmem_shared>>, %arg17: memref<1024x128xf32, #tpu.memory_space<vmem_shared>>, %arg18: memref<!tpu.dma_semaphore, #tpu.memory_space<semaphore_mem>>, %arg19: memref<!tpu.dma_semaphore, #tpu.memory_space<semaphore_mem>>, %arg20: memref<!tpu.dma_semaphore, #tpu.memory_space<semaphore_mem>>, %arg21: memref<!tpu.dma_semaphore, #tpu.memory_space<semaphore_mem>>, %arg22: memref<!tpu.dma_semaphore, #tpu.memory_space<semaphore_mem>>, %arg23: memref<!tpu.dma_semaphore, #tpu.memory_space<semaphore_mem>>) attributes {dimension_semantics = [#tpu.dimension_semantics<core_parallel>, #tpu.dimension_semantics<subcore_parallel>], iteration_bounds = array<i64: 2, 16>, scalar_prefetch = 0 : i64, scratch_operands = 18 : i64, tpu.core_type = #tpu.core_type<sc_vector_subcore>, window_params = [{transform_indices = #map}, {transform_indices = #map1}, {transform_indices = #map2}, {transform_indices = #map2}]} {
    %mul3A = arith.constant 2 : i32
    %mul3A_0 = arith.muli %arg1, %mul3A : i32
    %add3A = arith.addi %mul3A_0, %arg0 : i32
    %scan3A = arith.constant 0 : i32
    %scan3A_1 = arith.constant 0 : i32
    %scan3A_2 = arith.constant 128 : i32
    %scan3A_3 = arith.addi %scan3A_1, %scan3A_2 : i32
    %scan3A_4 = arith.constant 1 : i32
    %scan3A_5 = scf.for %scan3A_108 = %scan3A_1 to %scan3A_3 step %scan3A_4 iter_args(%scan3A_109 = %scan3A) -> (i32)  : i32 {
      %broadcast_in_dim3A = arith.constant 1.000000e+00 : f32
      %broadcast_in_dim3A_110 = vector.broadcast %broadcast_in_dim3A : f32 to vector<16xf32>
      %swap3A = arith.index_cast %scan3A_108 : i32 to index
      %swap3A_111 = arith.constant 0 : index
      %swap3A_112 = tpu.vector_load %arg10[%swap3A, %swap3A_111] {strides = array<i32>} : memref<128x128xf32, #tpu.memory_space<vmem>>, vector<1x16xf32>,
      %swap3A_113 = vector.shape_cast %swap3A_112 : vector<1x16xf32> to vector<16xf32>
      %swap3A_114 = vector.shape_cast %broadcast_in_dim3A_110 : vector<16xf32> to vector<1x16xf32>
      tpu.vector_store %arg10[%swap3A, %swap3A_111], %swap3A_114 {strides = array<i32>} : memref<128x128xf32, #tpu.memory_space<vmem>>, vector<1x16xf32>,
      %broadcast_in_dim3A_115 = arith.constant 1.000000e+00 : f32
      %broadcast_in_dim3A_116 = vector.broadcast %broadcast_in_dim3A_115 : f32 to vector<16xf32>
      %swap3A_117 = arith.index_cast %scan3A_108 : i32 to index
      %swap3A_118 = arith.constant 16 : index
      %swap3A_119 = tpu.vector_load %arg10[%swap3A_117, %swap3A_118] {strides = array<i32>} : memref<128x128xf32, #tpu.memory_space<vmem>>, vector<1x16xf32>,
      %swap3A_120 = vector.shape_cast %swap3A_119 : vector<1x16xf32> to vector<16xf32>
      %swap3A_121 = vector.shape_cast %broadcast_in_dim3A_116 : vector<16xf32> to vector<1x16xf32>
      tpu.vector_store %arg10[%swap3A_117, %swap3A_118], %swap3A_121 {strides = array<i32>} : memref<128x128xf32, #tpu.memory_space<vmem>>, vector<1x16xf32>,
      %broadcast_in_dim3A_122 = arith.constant 1.000000e+00 : f32
      %broadcast_in_dim3A_123 = vector.broadcast %broadcast_in_dim3A_122 : f32 to vector<16xf32>
      %swap3A_124 = arith.index_cast %scan3A_108 : i32 to index
      %swap3A_125 = arith.constant 32 : index
      %swap3A_126 = tpu.vector_load %arg10[%swap3A_124, %swap3A_125] {strides = array<i32>} : memref<128x128xf32, #tpu.memory_space<vmem>>, vector<1x16xf32>,
      %swap3A_127 = vector.shape_cast %swap3A_126 : vector<1x16xf32> to vector<16xf32>
      %swap3A_128 = vector.shape_cast %broadcast_in_dim3A_123 : vector<16xf32> to vector<1x16xf32>
      tpu.vector_store %arg10[%swap3A_124, %swap3A_125], %swap3A_128 {strides = array<i32>} : memref<128x128xf32, #tpu.memory_space<vmem>>, vector<1x16xf32>,
      %broadcast_in_dim3A_129 = arith.constant 1.000000e+00 : f32
      %broadcast_in_dim3A_130 = vector.broadcast %broadcast_in_dim3A_129 : f32 to vector<16xf32>
      %swap3A_131 = arith.index_cast %scan3A_108 : i32 to index
      %swap3A_132 = arith.constant 48 : index
      %swap3A_133 = tpu.vector_load %arg10[%swap3A_131, %swap3A_132] {strides = array<i32>} : memref<128x128xf32, #tpu.memory_space<vmem>>, vector<1x16xf32>,
      %swap3A_134 = vector.shape_cast %swap3A_133 : vector<1x16xf32> to vector<16xf32>
      %swap3A_135 = vector.shape_cast %broadcast_in_dim3A_130 : vector<16xf32> to vector<1x16xf32>
      tpu.vector_store %arg10[%swap3A_131, %swap3A_132], %swap3A_135 {strides = array<i32>} : memref<128x128xf32, #tpu.memory_space<vmem>>, vector<1x16xf32>,
      %broadcast_in_dim3A_136 = arith.constant 1.000000e+00 : f32
      %broadcast_in_dim3A_137 = vector.broadcast %broadcast_in_dim3A_136 : f32 to vector<16xf32>
      %swap3A_138 = arith.index_cast %scan3A_108 : i32 to index
      %swap3A_139 = arith.constant 64 : index
      %swap3A_140 = tpu.vector_load %arg10[%swap3A_138, %swap3A_139] {strides = array<i32>} : memref<128x128xf32, #tpu.memory_space<vmem>>, vector<1x16xf32>,
      %swap3A_141 = vector.shape_cast %swap3A_140 : vector<1x16xf32> to vector<16xf32>
      %swap3A_142 = vector.shape_cast %broadcast_in_dim3A_137 : vector<16xf32> to vector<1x16xf32>
      tpu.vector_store %arg10[%swap3A_138, %swap3A_139], %swap3A_142 {strides = array<i32>} : memref<128x128xf32, #tpu.memory_space<vmem>>, vector<1x16xf32>,
      %broadcast_in_dim3A_143 = arith.constant 1.000000e+00 : f32
      %broadcast_in_dim3A_144 = vector.broadcast %broadcast_in_dim3A_143 : f32 to vector<16xf32>
      %swap3A_145 = arith.index_cast %scan3A_108 : i32 to index
      %swap3A_146 = arith.constant 80 : index
      %swap3A_147 = tpu.vector_load %arg10[%swap3A_145, %swap3A_146] {strides = array<i32>} : memref<128x128xf32, #tpu.memory_space<vmem>>, vector<1x16xf32>,
      %swap3A_148 = vector.shape_cast %swap3A_147 : vector<1x16xf32> to vector<16xf32>
      %swap3A_149 = vector.shape_cast %broadcast_in_dim3A_144 : vector<16xf32> to vector<1x16xf32>
      tpu.vector_store %arg10[%swap3A_145, %swap3A_146], %swap3A_149 {strides = array<i32>} : memref<128x128xf32, #tpu.memory_space<vmem>>, vector<1x16xf32>,
      %broadcast_in_dim3A_150 = arith.constant 1.000000e+00 : f32
      %broadcast_in_dim3A_151 = vector.broadcast %broadcast_in_dim3A_150 : f32 to vector<16xf32>
      %swap3A_152 = arith.index_cast %scan3A_108 : i32 to index
      %swap3A_153 = arith.constant 96 : index
      %swap3A_154 = tpu.vector_load %arg10[%swap3A_152, %swap3A_153] {strides = array<i32>} : memref<128x128xf32, #tpu.memory_space<vmem>>, vector<1x16xf32>,
      %swap3A_155 = vector.shape_cast %swap3A_154 : vector<1x16xf32> to vector<16xf32>
      %swap3A_156 = vector.shape_cast %broadcast_in_dim3A_151 : vector<16xf32> to vector<1x16xf32>
      tpu.vector_store %arg10[%swap3A_152, %swap3A_153], %swap3A_156 {strides = array<i32>} : memref<128x128xf32, #tpu.memory_space<vmem>>, vector<1x16xf32>,
      %broadcast_in_dim3A_157 = arith.constant 1.000000e+00 : f32
      %broadcast_in_dim3A_158 = vector.broadcast %broadcast_in_dim3A_157 : f32 to vector<16xf32>
      %swap3A_159 = arith.index_cast %scan3A_108 : i32 to index
      %swap3A_160 = arith.constant 112 : index
      %swap3A_161 = tpu.vector_load %arg10[%swap3A_159, %swap3A_160] {strides = array<i32>} : memref<128x128xf32, #tpu.memory_space<vmem>>, vector<1x16xf32>,
      %swap3A_162 = vector.shape_cast %swap3A_161 : vector<1x16xf32> to vector<16xf32>
      %swap3A_163 = vector.shape_cast %broadcast_in_dim3A_158 : vector<16xf32> to vector<1x16xf32>
      tpu.vector_store %arg10[%swap3A_159, %swap3A_160], %swap3A_163 {strides = array<i32>} : memref<128x128xf32, #tpu.memory_space<vmem>>, vector<1x16xf32>,
      %lt3A = arith.constant 64 : i32
      %lt3A_164 = arith.cmpi slt, %scan3A_108, %lt3A : i32
      %convert_element_type3A_165 = arith.extui %lt3A_164 : i1 to i32
      %cond3A_166 = arith.constant 0 : i32
      %cond3A_167 = arith.cmpi ne, %convert_element_type3A_165, %cond3A_166 : i32
      scf.if %cond3A_167 {
        %broadcast_in_dim3A_169 = arith.constant 0.000000e+00 : f32
        %broadcast_in_dim3A_170 = vector.broadcast %broadcast_in_dim3A_169 : f32 to vector<16xf32>
        %swap3A_171 = arith.index_cast %scan3A_108 : i32 to index
        %swap3A_172 = arith.constant 0 : index
        %swap3A_173 = tpu.vector_load %arg11[%swap3A_171, %swap3A_172] {strides = array<i32>} : memref<64x128xf32, #tpu.memory_space<vmem>>, vector<1x16xf32>,
        %swap3A_174 = vector.shape_cast %swap3A_173 : vector<1x16xf32> to vector<16xf32>
        %swap3A_175 = vector.shape_cast %broadcast_in_dim3A_170 : vector<16xf32> to vector<1x16xf32>
        tpu.vector_store %arg11[%swap3A_171, %swap3A_172], %swap3A_175 {strides = array<i32>} : memref<64x128xf32, #tpu.memory_space<vmem>>, vector<1x16xf32>,
        %broadcast_in_dim3A_176 = arith.constant 0.000000e+00 : f32
        %broadcast_in_dim3A_177 = vector.broadcast %broadcast_in_dim3A_176 : f32 to vector<16xf32>
        %swap3A_178 = arith.index_cast %scan3A_108 : i32 to index
        %swap3A_179 = arith.constant 16 : index
        %swap3A_180 = tpu.vector_load %arg11[%swap3A_178, %swap3A_179] {strides = array<i32>} : memref<64x128xf32, #tpu.memory_space<vmem>>, vector<1x16xf32>,
        %swap3A_181 = vector.shape_cast %swap3A_180 : vector<1x16xf32> to vector<16xf32>
        %swap3A_182 = vector.shape_cast %broadcast_in_dim3A_177 : vector<16xf32> to vector<1x16xf32>
        tpu.vector_store %arg11[%swap3A_178, %swap3A_179], %swap3A_182 {strides = array<i32>} : memref<64x128xf32, #tpu.memory_space<vmem>>, vector<1x16xf32>,
        %broadcast_in_dim3A_183 = arith.constant 0.000000e+00 : f32
        %broadcast_in_dim3A_184 = vector.broadcast %broadcast_in_dim3A_183 : f32 to vector<16xf32>
        %swap3A_185 = arith.index_cast %scan3A_108 : i32 to index
        %swap3A_186 = arith.constant 32 : index
        %swap3A_187 = tpu.vector_load %arg11[%swap3A_185, %swap3A_186] {strides = array<i32>} : memref<64x128xf32, #tpu.memory_space<vmem>>, vector<1x16xf32>,
        %swap3A_188 = vector.shape_cast %swap3A_187 : vector<1x16xf32> to vector<16xf32>
        %swap3A_189 = vector.shape_cast %broadcast_in_dim3A_184 : vector<16xf32> to vector<1x16xf32>
        tpu.vector_store %arg11[%swap3A_185, %swap3A_186], %swap3A_189 {strides = array<i32>} : memref<64x128xf32, #tpu.memory_space<vmem>>, vector<1x16xf32>,
        %broadcast_in_dim3A_190 = arith.constant 0.000000e+00 : f32
        %broadcast_in_dim3A_191 = vector.broadcast %broadcast_in_dim3A_190 : f32 to vector<16xf32>
        %swap3A_192 = arith.index_cast %scan3A_108 : i32 to index
        %swap3A_193 = arith.constant 48 : index
        %swap3A_194 = tpu.vector_load %arg11[%swap3A_192, %swap3A_193] {strides = array<i32>} : memref<64x128xf32, #tpu.memory_space<vmem>>, vector<1x16xf32>,
        %swap3A_195 = vector.shape_cast %swap3A_194 : vector<1x16xf32> to vector<16xf32>
        %swap3A_196 = vector.shape_cast %broadcast_in_dim3A_191 : vector<16xf32> to vector<1x16xf32>
        tpu.vector_store %arg11[%swap3A_192, %swap3A_193], %swap3A_196 {strides = array<i32>} : memref<64x128xf32, #tpu.memory_space<vmem>>, vector<1x16xf32>,
        %broadcast_in_dim3A_197 = arith.constant 0.000000e+00 : f32
        %broadcast_in_dim3A_198 = vector.broadcast %broadcast_in_dim3A_197 : f32 to vector<16xf32>
        %swap3A_199 = arith.index_cast %scan3A_108 : i32 to index
        %swap3A_200 = arith.constant 64 : index
        %swap3A_201 = tpu.vector_load %arg11[%swap3A_199, %swap3A_200] {strides = array<i32>} : memref<64x128xf32, #tpu.memory_space<vmem>>, vector<1x16xf32>,
        %swap3A_202 = vector.shape_cast %swap3A_201 : vector<1x16xf32> to vector<16xf32>
        %swap3A_203 = vector.shape_cast %broadcast_in_dim3A_198 : vector<16xf32> to vector<1x16xf32>
        tpu.vector_store %arg11[%swap3A_199, %swap3A_200], %swap3A_203 {strides = array<i32>} : memref<64x128xf32, #tpu.memory_space<vmem>>, vector<1x16xf32>,
        %broadcast_in_dim3A_204 = arith.constant 0.000000e+00 : f32
        %broadcast_in_dim3A_205 = vector.broadcast %broadcast_in_dim3A_204 : f32 to vector<16xf32>
        %swap3A_206 = arith.index_cast %scan3A_108 : i32 to index
        %swap3A_207 = arith.constant 80 : index
        %swap3A_208 = tpu.vector_load %arg11[%swap3A_206, %swap3A_207] {strides = array<i32>} : memref<64x128xf32, #tpu.memory_space<vmem>>, vector<1x16xf32>,
        %swap3A_209 = vector.shape_cast %swap3A_208 : vector<1x16xf32> to vector<16xf32>
        %swap3A_210 = vector.shape_cast %broadcast_in_dim3A_205 : vector<16xf32> to vector<1x16xf32>
        tpu.vector_store %arg11[%swap3A_206, %swap3A_207], %swap3A_210 {strides = array<i32>} : memref<64x128xf32, #tpu.memory_space<vmem>>, vector<1x16xf32>,
        %broadcast_in_dim3A_211 = arith.constant 0.000000e+00 : f32
        %broadcast_in_dim3A_212 = vector.broadcast %broadcast_in_dim3A_211 : f32 to vector<16xf32>
        %swap3A_213 = arith.index_cast %scan3A_108 : i32 to index
        %swap3A_214 = arith.constant 96 : index
        %swap3A_215 = tpu.vector_load %arg11[%swap3A_213, %swap3A_214] {strides = array<i32>} : memref<64x128xf32, #tpu.memory_space<vmem>>, vector<1x16xf32>,
        %swap3A_216 = vector.shape_cast %swap3A_215 : vector<1x16xf32> to vector<16xf32>
        %swap3A_217 = vector.shape_cast %broadcast_in_dim3A_212 : vector<16xf32> to vector<1x16xf32>
        tpu.vector_store %arg11[%swap3A_213, %swap3A_214], %swap3A_217 {strides = array<i32>} : memref<64x128xf32, #tpu.memory_space<vmem>>, vector<1x16xf32>,
        %broadcast_in_dim3A_218 = arith.constant 0.000000e+00 : f32
        %broadcast_in_dim3A_219 = vector.broadcast %broadcast_in_dim3A_218 : f32 to vector<16xf32>
        %swap3A_220 = arith.index_cast %scan3A_108 : i32 to index
        %swap3A_221 = arith.constant 112 : index
        %swap3A_222 = tpu.vector_load %arg11[%swap3A_220, %swap3A_221] {strides = array<i32>} : memref<64x128xf32, #tpu.memory_space<vmem>>, vector<1x16xf32>,
        %swap3A_223 = vector.shape_cast %swap3A_222 : vector<1x16xf32> to vector<16xf32>
        %swap3A_224 = vector.shape_cast %broadcast_in_dim3A_219 : vector<16xf32> to vector<1x16xf32>
        tpu.vector_store %arg11[%swap3A_220, %swap3A_221], %swap3A_224 {strides = array<i32>} : memref<64x128xf32, #tpu.memory_space<vmem>>, vector<1x16xf32>,
      } else {
      }
      %scan3A_168 = arith.constant 0 : i32
      scf.yield %scan3A_168 : i32
    }
    %scan3A_6 = arith.constant 128 : i32
    %mul3A_7 = arith.constant 64 : i32
    %mul3A_8 = arith.muli %arg1, %mul3A_7 : i32
    "tpu.region"() ({
      %run_scoped3A = tpu.sem_alloc : memref<!tpu.dma_semaphore, #tpu.memory_space<semaphore_mem>>
      %dma_start3A = arith.constant 0 : i32
      %dma_start3A_108 = tpu.memref_slice %arg16[%mul3A_8, %dma_start3A] : memref<1024x128xf32, #tpu.memory_space<vmem_shared>> -> memref<64x128xf32, #tpu.memory_space<vmem_shared>>
      %dma_start3A_109 = arith.constant 0 : i32
      %dma_start3A_110 = tpu.memref_slice %arg16[%mul3A_8, %dma_start3A_109] : memref<1024x128xf32, #tpu.memory_space<vmem_shared>> -> memref<64x128xf32, #tpu.memory_space<vmem_shared>>
      tpu.enqueue_dma source(%arg11 : memref<64x128xf32, #tpu.memory_space<vmem>>) target(%dma_start3A_110 : memref<64x128xf32, #tpu.memory_space<vmem_shared>>) target_semaphore(%run_scoped3A : memref<!tpu.dma_semaphore, #tpu.memory_space<semaphore_mem>>)
      %dma_wait3A = arith.constant 0 : i32
      %dma_wait3A_111 = tpu.memref_slice %arg16[%mul3A_8, %dma_wait3A] : memref<1024x128xf32, #tpu.memory_space<vmem_shared>> -> memref<64x128xf32, #tpu.memory_space<vmem_shared>>
      %dma_wait3A_112 = arith.constant 0 : i32
      %dma_wait3A_113 = tpu.memref_slice %arg16[%mul3A_8, %dma_wait3A_112] : memref<1024x128xf32, #tpu.memory_space<vmem_shared>> -> memref<64x128xf32, #tpu.memory_space<vmem_shared>>
      tpu.wait_dma2 semaphore(%run_scoped3A : memref<!tpu.dma_semaphore, #tpu.memory_space<semaphore_mem>>) src(%arg11 : memref<64x128xf32, #tpu.memory_space<vmem>>) dst(%dma_wait3A_113 : memref<64x128xf32, #tpu.memory_space<vmem_shared>>)
      tpu.yield
    }) : () -> ()
    %mul3A_9 = arith.constant 64 : i32
    %mul3A_10 = arith.muli %arg1, %mul3A_9 : i32
    "tpu.region"() ({
      %run_scoped3A = tpu.sem_alloc : memref<!tpu.dma_semaphore, #tpu.memory_space<semaphore_mem>>
      %dma_start3A = arith.constant 0 : i32
      %dma_start3A_108 = tpu.memref_slice %arg17[%mul3A_10, %dma_start3A] : memref<1024x128xf32, #tpu.memory_space<vmem_shared>> -> memref<64x128xf32, #tpu.memory_space<vmem_shared>>
      %dma_start3A_109 = arith.constant 0 : i32
      %dma_start3A_110 = tpu.memref_slice %arg17[%mul3A_10, %dma_start3A_109] : memref<1024x128xf32, #tpu.memory_space<vmem_shared>> -> memref<64x128xf32, #tpu.memory_space<vmem_shared>>
      tpu.enqueue_dma source(%arg11 : memref<64x128xf32, #tpu.memory_space<vmem>>) target(%dma_start3A_110 : memref<64x128xf32, #tpu.memory_space<vmem_shared>>) target_semaphore(%run_scoped3A : memref<!tpu.dma_semaphore, #tpu.memory_space<semaphore_mem>>)
      %dma_wait3A = arith.constant 0 : i32
      %dma_wait3A_111 = tpu.memref_slice %arg17[%mul3A_10, %dma_wait3A] : memref<1024x128xf32, #tpu.memory_space<vmem_shared>> -> memref<64x128xf32, #tpu.memory_space<vmem_shared>>
      %dma_wait3A_112 = arith.constant 0 : i32
      %dma_wait3A_113 = tpu.memref_slice %arg17[%mul3A_10, %dma_wait3A_112] : memref<1024x128xf32, #tpu.memory_space<vmem_shared>> -> memref<64x128xf32, #tpu.memory_space<vmem_shared>>
      tpu.wait_dma2 semaphore(%run_scoped3A : memref<!tpu.dma_semaphore, #tpu.memory_space<semaphore_mem>>) src(%arg11 : memref<64x128xf32, #tpu.memory_space<vmem>>) dst(%dma_wait3A_113 : memref<64x128xf32, #tpu.memory_space<vmem_shared>>)
      tpu.yield
    }) : () -> ()
    %barrier3A = arith.constant 0 : index
    tpu.barrier barrier_id(%barrier3A)
    %sub3A = arith.constant 390 : i32
    %sub3A_11 = arith.subi %sub3A, %add3A : i32
    %add3A_12 = arith.constant 32 : i32
    %add3A_13 = arith.addi %sub3A_11, %add3A_12 : i32
    %sub3A_14 = arith.constant 1 : i32
    %sub3A_15 = arith.subi %add3A_13, %sub3A_14 : i32
    %jit3A = arith.constant 32 : i32
    %div3A = arith.divsi %sub3A_15, %jit3A : i32
    %sign3A = arith.constant 0 : i32
    %sign3A_16 = arith.cmpi sgt, %sub3A_15, %sign3A : i32
    %sign3A_17 = arith.extui %sign3A_16 : i1 to i32
    %sign3A_18 = arith.constant 0 : i32
    %sign3A_19 = arith.cmpi slt, %sub3A_15, %sign3A_18 : i32
    %sign3A_20 = arith.extui %sign3A_19 : i1 to i32
    %sign3A_21 = arith.subi %sign3A_17, %sign3A_20 : i32
    %sign3A_22 = arith.constant 0 : i32
    %sign3A_23 = arith.cmpi sgt, %jit3A, %sign3A_22 : i32
    %sign3A_24 = arith.extui %sign3A_23 : i1 to i32
    %sign3A_25 = arith.constant 0 : i32
    %sign3A_26 = arith.cmpi slt, %jit3A, %sign3A_25 : i32
    %sign3A_27 = arith.extui %sign3A_26 : i1 to i32
    %sign3A_28 = arith.subi %sign3A_24, %sign3A_27 : i32
    %ne3A = arith.cmpi ne, %sign3A_21, %sign3A_28 : i32
    %rem3A = arith.remsi %sub3A_15, %jit3A : i32
    %ne3A_29 = arith.constant 0 : i32
    %ne3A_30 = arith.cmpi ne, %rem3A, %ne3A_29 : i32
    %and3A = arith.andi %ne3A, %ne3A_30 : i1
    %sub3A_31 = arith.constant 1 : i32
    %sub3A_32 = arith.subi %div3A, %sub3A_31 : i32
    %select_n3A = arith.select %and3A, %sub3A_32, %div3A : i32
    %gt3A = arith.constant 0 : i32
    %gt3A_33 = arith.cmpi sgt, %select_n3A, %gt3A : i32
    %convert_element_type3A = arith.extui %gt3A_33 : i1 to i32
    %cond3A = arith.constant 0 : i32
    %cond3A_34 = arith.cmpi ne, %convert_element_type3A, %cond3A : i32
    scf.if %cond3A_34 {
      %add3A_108 = arith.constant 0 : i32
      %add3A_109 = arith.addi %add3A, %add3A_108 : i32
      %mul3A_110 = arith.constant 256 : i32
      %mul3A_111 = arith.muli %add3A_109, %mul3A_110 : i32
      %dma_start3A = arith.constant 0 : i32
      %dma_start3A_112 = tpu.memref_slice %arg2[%mul3A_111, %dma_start3A] : memref<100000x128xf32, #tpu.memory_space<hbm>> -> memref<256x128xf32, #tpu.memory_space<hbm>>
      %dma_start3A_113 = arith.constant 0 : i32
      %dma_start3A_114 = tpu.memref_slice %arg2[%mul3A_111, %dma_start3A_113] : memref<100000x128xf32, #tpu.memory_space<hbm>> -> memref<256x128xf32, #tpu.memory_space<hbm>>
      tpu.enqueue_dma source(%dma_start3A_114 : memref<256x128xf32, #tpu.memory_space<hbm>>) target(%arg6 : memref<256x128xf32, #tpu.memory_space<vmem>>) target_semaphore(%arg18 : memref<!tpu.dma_semaphore, #tpu.memory_space<semaphore_mem>>)
      %dma_start3A_115 = arith.constant 0 : i32
      %dma_start3A_116 = arith.constant 0 : i32
      %dma_start3A_117 = tpu.memref_slice %arg8[%dma_start3A_115, %dma_start3A_116] : memref<2x128xi32, #tpu.memory_space<vmem>> -> memref<1x128xi32, #tpu.memory_space<vmem>>
      %dma_start3A_118 = tpu.memref_squeeze %dma_start3A_117 : memref<1x128xi32, #tpu.memory_space<vmem>> -> memref<128xi32, #tpu.memory_space<vmem>>
      %dma_start3A_119 = tpu.memref_slice %arg3[%mul3A_111] : memref<100000xi32, #tpu.memory_space<hbm>> -> memref<128xi32, #tpu.memory_space<hbm>>
      %dma_start3A_120 = arith.constant 0 : i32
      %dma_start3A_121 = tpu.memref_slice %arg8[%dma_start3A_115, %dma_start3A_120] : memref<2x128xi32, #tpu.memory_space<vmem>> -> memref<1x128xi32, #tpu.memory_space<vmem>>
      %dma_start3A_122 = tpu.memref_squeeze %dma_start3A_121 : memref<1x128xi32, #tpu.memory_space<vmem>> -> memref<128xi32, #tpu.memory_space<vmem>>
      %dma_start3A_123 = tpu.memref_slice %arg3[%mul3A_111] : memref<100000xi32, #tpu.memory_space<hbm>> -> memref<128xi32, #tpu.memory_space<hbm>>
      tpu.enqueue_dma source(%dma_start3A_123 : memref<128xi32, #tpu.memory_space<hbm>>) target(%dma_start3A_122 : memref<128xi32, #tpu.memory_space<vmem>>) target_semaphore(%arg20 : memref<!tpu.dma_semaphore, #tpu.memory_space<semaphore_mem>>)
      %add3A_124 = arith.constant 128 : i32
      %add3A_125 = arith.addi %mul3A_111, %add3A_124 : i32
      %dma_start3A_126 = arith.constant 1 : i32
      %dma_start3A_127 = arith.constant 0 : i32
      %dma_start3A_128 = tpu.memref_slice %arg8[%dma_start3A_126, %dma_start3A_127] : memref<2x128xi32, #tpu.memory_space<vmem>> -> memref<1x128xi32, #tpu.memory_space<vmem>>
      %dma_start3A_129 = tpu.memref_squeeze %dma_start3A_128 : memref<1x128xi32, #tpu.memory_space<vmem>> -> memref<128xi32, #tpu.memory_space<vmem>>
      %dma_start3A_130 = tpu.memref_slice %arg3[%add3A_125] : memref<100000xi32, #tpu.memory_space<hbm>> -> memref<128xi32, #tpu.memory_space<hbm>>
      %dma_start3A_131 = arith.constant 0 : i32
      %dma_start3A_132 = tpu.memref_slice %arg8[%dma_start3A_126, %dma_start3A_131] : memref<2x128xi32, #tpu.memory_space<vmem>> -> memref<1x128xi32, #tpu.memory_space<vmem>>
      %dma_start3A_133 = tpu.memref_squeeze %dma_start3A_132 : memref<1x128xi32, #tpu.memory_space<vmem>> -> memref<128xi32, #tpu.memory_space<vmem>>
      %dma_start3A_134 = tpu.memref_slice %arg3[%add3A_125] : memref<100000xi32, #tpu.memory_space<hbm>> -> memref<128xi32, #tpu.memory_space<hbm>>
      tpu.enqueue_dma source(%dma_start3A_134 : memref<128xi32, #tpu.memory_space<hbm>>) target(%dma_start3A_133 : memref<128xi32, #tpu.memory_space<vmem>>) target_semaphore(%arg20 : memref<!tpu.dma_semaphore, #tpu.memory_space<semaphore_mem>>)
    } else {
    }
    %add3A_35 = arith.constant 1 : i32
    %add3A_36 = arith.addi %select_n3A, %add3A_35 : i32
    %jit3A_37 = arith.constant 2 : i32
    %div3A_38 = arith.divsi %add3A_36, %jit3A_37 : i32
    %sign3A_39 = arith.constant 0 : i32
    %sign3A_40 = arith.cmpi sgt, %add3A_36, %sign3A_39 : i32
    %sign3A_41 = arith.extui %sign3A_40 : i1 to i32
    %sign3A_42 = arith.constant 0 : i32
    %sign3A_43 = arith.cmpi slt, %add3A_36, %sign3A_42 : i32
    %sign3A_44 = arith.extui %sign3A_43 : i1 to i32
    %sign3A_45 = arith.subi %sign3A_41, %sign3A_44 : i32
    %sign3A_46 = arith.constant 0 : i32
    %sign3A_47 = arith.cmpi sgt, %jit3A_37, %sign3A_46 : i32
    %sign3A_48 = arith.extui %sign3A_47 : i1 to i32
    %sign3A_49 = arith.constant 0 : i32
    %sign3A_50 = arith.cmpi slt, %jit3A_37, %sign3A_49 : i32
    %sign3A_51 = arith.extui %sign3A_50 : i1 to i32
    %sign3A_52 = arith.subi %sign3A_48, %sign3A_51 : i32
    %ne3A_53 = arith.cmpi ne, %sign3A_45, %sign3A_52 : i32
    %rem3A_54 = arith.remsi %add3A_36, %jit3A_37 : i32
    %ne3A_55 = arith.constant 0 : i32
    %ne3A_56 = arith.cmpi ne, %rem3A_54, %ne3A_55 : i32
    %and3A_57 = arith.andi %ne3A_53, %ne3A_56 : i1
    %sub3A_58 = arith.constant 1 : i32
    %sub3A_59 = arith.subi %div3A_38, %sub3A_58 : i32
    %select_n3A_60 = arith.select %and3A_57, %sub3A_59, %div3A_38 : i32
    %while3A = arith.constant 0 : i32
    %while3A_61 = arith.constant 0 : i32
    %while3A_62 = arith.subi %select_n3A_60, %while3A : i32
    %while3A_63 = arith.addi %while3A, %while3A_62 : i32
    %while3A_64 = arith.constant 1 : i32
    %while3A_65 = arith.divsi %while3A_62, %while3A_64 : i32
    %while3A_66 = arith.muli %while3A_65, %while3A_64 : i32
    %while3A_67 = arith.addi %while3A, %while3A_66 : i32
    %while3A_68 = arith.constant 1 : i32
    %while3A_69 = scf.for %while3A_108 = %while3A to %while3A_67 step %while3A_68 iter_args(%while3A_109 = %while3A_61) -> (i32)  : i32 {
      %mul3A_110 = arith.constant 2 : i32
      %mul3A_111 = arith.muli %while3A_108, %mul3A_110 : i32
      %add3A_112 = arith.constant 0 : i32
      %add3A_113 = arith.addi %mul3A_111, %add3A_112 : i32
      %lt3A = arith.cmpi slt, %add3A_113, %select_n3A : i32
      %convert_element_type3A_114 = arith.extui %lt3A : i1 to i32
      %cond3A_115 = arith.constant 0 : i32
      %cond3A_116 = arith.cmpi ne, %convert_element_type3A_114, %cond3A_115 : i32
      scf.if %cond3A_116 {
        %ge3A_126 = arith.constant 1 : i32
        %ge3A_127 = arith.cmpi sge, %add3A_113, %ge3A_126 : i32
        %convert_element_type3A_128 = arith.extui %ge3A_127 : i1 to i32
        %cond3A_129 = arith.constant 0 : i32
        %cond3A_130 = arith.cmpi ne, %convert_element_type3A_128, %cond3A_129 : i32
        scf.if %cond3A_130 {
          %dma_wait3A_196 = arith.constant 0 : i32
          %dma_wait3A_197 = arith.constant 0 : i32
          %dma_wait3A_198 = arith.constant 0 : i32
          %dma_wait3A_199 = tpu.memref_slice %arg7[%dma_wait3A_197, %dma_wait3A_198] : memref<256x128xf32, #tpu.memory_space<vmem>> -> memref<128x128xf32, #tpu.memory_space<vmem>>
          %dma_wait3A_200 = arith.constant 0 : i32
          %dma_wait3A_201 = tpu.memref_slice %arg9[%dma_wait3A_196, %dma_wait3A_200] : memref<2x128xi32, #tpu.memory_space<vmem>> -> memref<1x128xi32, #tpu.memory_space<vmem>>
          %dma_wait3A_202 = tpu.memref_squeeze %dma_wait3A_201 : memref<1x128xi32, #tpu.memory_space<vmem>> -> memref<128xi32, #tpu.memory_space<vmem>>
          %dma_wait3A_203 = arith.constant 0 : i32
          %dma_wait3A_204 = arith.constant 0 : i32
          %dma_wait3A_205 = tpu.memref_slice %arg16[%dma_wait3A_203, %dma_wait3A_204] : memref<1024x128xf32, #tpu.memory_space<vmem_shared>> -> memref<1024x128xf32, #tpu.memory_space<vmem_shared>>
          tpu.wait_indirect_dma semaphore(%arg23 : memref<!tpu.dma_semaphore, #tpu.memory_space<semaphore_mem>>) src(%dma_wait3A_199 : memref<128x128xf32, #tpu.memory_space<vmem>>) dst(%dma_wait3A_205 : memref<1024x128xf32, #tpu.memory_space<vmem_shared>>)
          %dma_wait3A_206 = arith.constant 0 : i32
          %dma_wait3A_207 = arith.constant 0 : i32
          %dma_wait3A_208 = tpu.memref_slice %arg9[%dma_wait3A_206, %dma_wait3A_207] : memref<2x128xi32, #tpu.memory_space<vmem>> -> memref<1x128xi32, #tpu.memory_space<vmem>>
          %dma_wait3A_209 = tpu.memref_squeeze %dma_wait3A_208 : memref<1x128xi32, #tpu.memory_space<vmem>> -> memref<128xi32, #tpu.memory_space<vmem>>
          %dma_wait3A_210 = arith.constant 0 : i32
          %dma_wait3A_211 = arith.constant 0 : i32
          %dma_wait3A_212 = tpu.memref_slice %arg17[%dma_wait3A_210, %dma_wait3A_211] : memref<1024x128xf32, #tpu.memory_space<vmem_shared>> -> memref<1024x128xf32, #tpu.memory_space<vmem_shared>>
          tpu.wait_indirect_dma semaphore(%arg23 : memref<!tpu.dma_semaphore, #tpu.memory_space<semaphore_mem>>) src(%arg10 : memref<128x128xf32, #tpu.memory_space<vmem>>) dst(%dma_wait3A_212 : memref<1024x128xf32, #tpu.memory_space<vmem_shared>>)
          %dma_wait3A_213 = arith.constant 1 : i32
          %dma_wait3A_214 = arith.constant 128 : i32
          %dma_wait3A_215 = arith.constant 0 : i32
          %dma_wait3A_216 = tpu.memref_slice %arg7[%dma_wait3A_214, %dma_wait3A_215] : memref<256x128xf32, #tpu.memory_space<vmem>> -> memref<128x128xf32, #tpu.memory_space<vmem>>
          %dma_wait3A_217 = arith.constant 0 : i32
          %dma_wait3A_218 = tpu.memref_slice %arg9[%dma_wait3A_213, %dma_wait3A_217] : memref<2x128xi32, #tpu.memory_space<vmem>> -> memref<1x128xi32, #tpu.memory_space<vmem>>
          %dma_wait3A_219 = tpu.memref_squeeze %dma_wait3A_218 : memref<1x128xi32, #tpu.memory_space<vmem>> -> memref<128xi32, #tpu.memory_space<vmem>>
          %dma_wait3A_220 = arith.constant 0 : i32
          %dma_wait3A_221 = arith.constant 0 : i32
          %dma_wait3A_222 = tpu.memref_slice %arg16[%dma_wait3A_220, %dma_wait3A_221] : memref<1024x128xf32, #tpu.memory_space<vmem_shared>> -> memref<1024x128xf32, #tpu.memory_space<vmem_shared>>
          tpu.wait_indirect_dma semaphore(%arg23 : memref<!tpu.dma_semaphore, #tpu.memory_space<semaphore_mem>>) src(%dma_wait3A_216 : memref<128x128xf32, #tpu.memory_space<vmem>>) dst(%dma_wait3A_222 : memref<1024x128xf32, #tpu.memory_space<vmem_shared>>)
          %dma_wait3A_223 = arith.constant 1 : i32
          %dma_wait3A_224 = arith.constant 0 : i32
          %dma_wait3A_225 = tpu.memref_slice %arg9[%dma_wait3A_223, %dma_wait3A_224] : memref<2x128xi32, #tpu.memory_space<vmem>> -> memref<1x128xi32, #tpu.memory_space<vmem>>
          %dma_wait3A_226 = tpu.memref_squeeze %dma_wait3A_225 : memref<1x128xi32, #tpu.memory_space<vmem>> -> memref<128xi32, #tpu.memory_space<vmem>>
          %dma_wait3A_227 = arith.constant 0 : i32
          %dma_wait3A_228 = arith.constant 0 : i32
          %dma_wait3A_229 = tpu.memref_slice %arg17[%dma_wait3A_227, %dma_wait3A_228] : memref<1024x128xf32, #tpu.memory_space<vmem_shared>> -> memref<1024x128xf32, #tpu.memory_space<vmem_shared>>
          tpu.wait_indirect_dma semaphore(%arg23 : memref<!tpu.dma_semaphore, #tpu.memory_space<semaphore_mem>>) src(%arg10 : memref<128x128xf32, #tpu.memory_space<vmem>>) dst(%dma_wait3A_229 : memref<1024x128xf32, #tpu.memory_space<vmem_shared>>)
        } else {
        }
        %add3A_131 = arith.constant 1 : i32
        %add3A_132 = arith.addi %add3A_113, %add3A_131 : i32
        %lt3A_133 = arith.cmpi slt, %add3A_132, %select_n3A : i32
        %convert_element_type3A_134 = arith.extui %lt3A_133 : i1 to i32
        %cond3A_135 = arith.constant 0 : i32
        %cond3A_136 = arith.cmpi ne, %convert_element_type3A_134, %cond3A_135 : i32
        scf.if %cond3A_136 {
          %add3A_196 = arith.constant 1 : i32
          %add3A_197 = arith.addi %add3A_113, %add3A_196 : i32
          %mul3A_198 = arith.constant 32 : i32
          %mul3A_199 = arith.muli %add3A_197, %mul3A_198 : i32
          %add3A_200 = arith.addi %add3A, %mul3A_199 : i32
          %mul3A_201 = arith.constant 256 : i32
          %mul3A_202 = arith.muli %add3A_200, %mul3A_201 : i32
          %dma_start3A_203 = arith.constant 0 : i32
          %dma_start3A_204 = tpu.memref_slice %arg2[%mul3A_202, %dma_start3A_203] : memref<100000x128xf32, #tpu.memory_space<hbm>> -> memref<256x128xf32, #tpu.memory_space<hbm>>
          %dma_start3A_205 = arith.constant 0 : i32
          %dma_start3A_206 = tpu.memref_slice %arg2[%mul3A_202, %dma_start3A_205] : memref<100000x128xf32, #tpu.memory_space<hbm>> -> memref<256x128xf32, #tpu.memory_space<hbm>>
          tpu.enqueue_dma source(%dma_start3A_206 : memref<256x128xf32, #tpu.memory_space<hbm>>) target(%arg7 : memref<256x128xf32, #tpu.memory_space<vmem>>) target_semaphore(%arg19 : memref<!tpu.dma_semaphore, #tpu.memory_space<semaphore_mem>>)
          %dma_start3A_207 = arith.constant 0 : i32
          %dma_start3A_208 = arith.constant 0 : i32
          %dma_start3A_209 = tpu.memref_slice %arg9[%dma_start3A_207, %dma_start3A_208] : memref<2x128xi32, #tpu.memory_space<vmem>> -> memref<1x128xi32, #tpu.memory_space<vmem>>
          %dma_start3A_210 = tpu.memref_squeeze %dma_start3A_209 : memref<1x128xi32, #tpu.memory_space<vmem>> -> memref<128xi32, #tpu.memory_space<vmem>>
          %dma_start3A_211 = tpu.memref_slice %arg3[%mul3A_202] : memref<100000xi32, #tpu.memory_space<hbm>> -> memref<128xi32, #tpu.memory_space<hbm>>
          %dma_start3A_212 = arith.constant 0 : i32
          %dma_start3A_213 = tpu.memref_slice %arg9[%dma_start3A_207, %dma_start3A_212] : memref<2x128xi32, #tpu.memory_space<vmem>> -> memref<1x128xi32, #tpu.memory_space<vmem>>
          %dma_start3A_214 = tpu.memref_squeeze %dma_start3A_213 : memref<1x128xi32, #tpu.memory_space<vmem>> -> memref<128xi32, #tpu.memory_space<vmem>>
          %dma_start3A_215 = tpu.memref_slice %arg3[%mul3A_202] : memref<100000xi32, #tpu.memory_space<hbm>> -> memref<128xi32, #tpu.memory_space<hbm>>
          tpu.enqueue_dma source(%dma_start3A_215 : memref<128xi32, #tpu.memory_space<hbm>>) target(%dma_start3A_214 : memref<128xi32, #tpu.memory_space<vmem>>) target_semaphore(%arg21 : memref<!tpu.dma_semaphore, #tpu.memory_space<semaphore_mem>>)
          %add3A_216 = arith.constant 128 : i32
          %add3A_217 = arith.addi %mul3A_202, %add3A_216 : i32
          %dma_start3A_218 = arith.constant 1 : i32
          %dma_start3A_219 = arith.constant 0 : i32
          %dma_start3A_220 = tpu.memref_slice %arg9[%dma_start3A_218, %dma_start3A_219] : memref<2x128xi32, #tpu.memory_space<vmem>> -> memref<1x128xi32, #tpu.memory_space<vmem>>
          %dma_start3A_221 = tpu.memref_squeeze %dma_start3A_220 : memref<1x128xi32, #tpu.memory_space<vmem>> -> memref<128xi32, #tpu.memory_space<vmem>>
          %dma_start3A_222 = tpu.memref_slice %arg3[%add3A_217] : memref<100000xi32, #tpu.memory_space<hbm>> -> memref<128xi32, #tpu.memory_space<hbm>>
          %dma_start3A_223 = arith.constant 0 : i32
          %dma_start3A_224 = tpu.memref_slice %arg9[%dma_start3A_218, %dma_start3A_223] : memref<2x128xi32, #tpu.memory_space<vmem>> -> memref<1x128xi32, #tpu.memory_space<vmem>>
          %dma_start3A_225 = tpu.memref_squeeze %dma_start3A_224 : memref<1x128xi32, #tpu.memory_space<vmem>> -> memref<128xi32, #tpu.memory_space<vmem>>
          %dma_start3A_226 = tpu.memref_slice %arg3[%add3A_217] : memref<100000xi32, #tpu.memory_space<hbm>> -> memref<128xi32, #tpu.memory_space<hbm>>
          tpu.enqueue_dma source(%dma_start3A_226 : memref<128xi32, #tpu.memory_space<hbm>>) target(%dma_start3A_225 : memref<128xi32, #tpu.memory_space<vmem>>) target_semaphore(%arg21 : memref<!tpu.dma_semaphore, #tpu.memory_space<semaphore_mem>>)
        } else {
        }
        %mul3A_137 = arith.constant 32 : i32
        %mul3A_138 = arith.muli %add3A_113, %mul3A_137 : i32
        %add3A_139 = arith.addi %add3A, %mul3A_138 : i32
        %mul3A_140 = arith.constant 256 : i32
        %mul3A_141 = arith.muli %add3A_139, %mul3A_140 : i32
        %dma_wait3A = arith.constant 0 : i32
        %dma_wait3A_142 = tpu.memref_slice %arg2[%mul3A_141, %dma_wait3A] : memref<100000x128xf32, #tpu.memory_space<hbm>> -> memref<256x128xf32, #tpu.memory_space<hbm>>
        %dma_wait3A_143 = arith.constant 0 : i32
        %dma_wait3A_144 = tpu.memref_slice %arg2[%mul3A_141, %dma_wait3A_143] : memref<100000x128xf32, #tpu.memory_space<hbm>> -> memref<256x128xf32, #tpu.memory_space<hbm>>
        tpu.wait_dma2 semaphore(%arg18 : memref<!tpu.dma_semaphore, #tpu.memory_space<semaphore_mem>>) src(%dma_wait3A_144 : memref<256x128xf32, #tpu.memory_space<hbm>>) dst(%arg6 : memref<256x128xf32, #tpu.memory_space<vmem>>)
        %dma_wait3A_145 = arith.constant 0 : i32
        %dma_wait3A_146 = arith.constant 0 : i32
        %dma_wait3A_147 = tpu.memref_slice %arg8[%dma_wait3A_145, %dma_wait3A_146] : memref<2x128xi32, #tpu.memory_space<vmem>> -> memref<1x128xi32, #tpu.memory_space<vmem>>
        %dma_wait3A_148 = tpu.memref_squeeze %dma_wait3A_147 : memref<1x128xi32, #tpu.memory_space<vmem>> -> memref<128xi32, #tpu.memory_space<vmem>>
        %dma_wait3A_149 = tpu.memref_slice %arg3[%mul3A_141] : memref<100000xi32, #tpu.memory_space<hbm>> -> memref<128xi32, #tpu.memory_space<hbm>>
        %dma_wait3A_150 = arith.constant 0 : i32
        %dma_wait3A_151 = tpu.memref_slice %arg8[%dma_wait3A_145, %dma_wait3A_150] : memref<2x128xi32, #tpu.memory_space<vmem>> -> memref<1x128xi32, #tpu.memory_space<vmem>>
        %dma_wait3A_152 = tpu.memref_squeeze %dma_wait3A_151 : memref<1x128xi32, #tpu.memory_space<vmem>> -> memref<128xi32, #tpu.memory_space<vmem>>
        %dma_wait3A_153 = tpu.memref_slice %arg3[%mul3A_141] : memref<100000xi32, #tpu.memory_space<hbm>> -> memref<128xi32, #tpu.memory_space<hbm>>
        tpu.wait_dma2 semaphore(%arg20 : memref<!tpu.dma_semaphore, #tpu.memory_space<semaphore_mem>>) src(%dma_wait3A_153 : memref<128xi32, #tpu.memory_space<hbm>>) dst(%dma_wait3A_152 : memref<128xi32, #tpu.memory_space<vmem>>)
        %dma_wait3A_154 = arith.constant 1 : i32
        %dma_wait3A_155 = arith.constant 0 : i32
        %dma_wait3A_156 = tpu.memref_slice %arg8[%dma_wait3A_154, %dma_wait3A_155] : memref<2x128xi32, #tpu.memory_space<vmem>> -> memref<1x128xi32, #tpu.memory_space<vmem>>
        %dma_wait3A_157 = tpu.memref_squeeze %dma_wait3A_156 : memref<1x128xi32, #tpu.memory_space<vmem>> -> memref<128xi32, #tpu.memory_space<vmem>>
        %dma_wait3A_158 = tpu.memref_slice %arg3[%mul3A_141] : memref<100000xi32, #tpu.memory_space<hbm>> -> memref<128xi32, #tpu.memory_space<hbm>>
        %dma_wait3A_159 = arith.constant 0 : i32
        %dma_wait3A_160 = tpu.memref_slice %arg8[%dma_wait3A_154, %dma_wait3A_159] : memref<2x128xi32, #tpu.memory_space<vmem>> -> memref<1x128xi32, #tpu.memory_space<vmem>>
        %dma_wait3A_161 = tpu.memref_squeeze %dma_wait3A_160 : memref<1x128xi32, #tpu.memory_space<vmem>> -> memref<128xi32, #tpu.memory_space<vmem>>
        %dma_wait3A_162 = tpu.memref_slice %arg3[%mul3A_141] : memref<100000xi32, #tpu.memory_space<hbm>> -> memref<128xi32, #tpu.memory_space<hbm>>
        tpu.wait_dma2 semaphore(%arg20 : memref<!tpu.dma_semaphore, #tpu.memory_space<semaphore_mem>>) src(%dma_wait3A_162 : memref<128xi32, #tpu.memory_space<hbm>>) dst(%dma_wait3A_161 : memref<128xi32, #tpu.memory_space<vmem>>)
        %dma_start3A = arith.constant 0 : i32
        %dma_start3A_163 = arith.constant 0 : i32
        %dma_start3A_164 = arith.constant 0 : i32
        %dma_start3A_165 = tpu.memref_slice %arg6[%dma_start3A_163, %dma_start3A_164] : memref<256x128xf32, #tpu.memory_space<vmem>> -> memref<128x128xf32, #tpu.memory_space<vmem>>
        %dma_start3A_166 = arith.constant 0 : i32
        %dma_start3A_167 = tpu.memref_slice %arg8[%dma_start3A, %dma_start3A_166] : memref<2x128xi32, #tpu.memory_space<vmem>> -> memref<1x128xi32, #tpu.memory_space<vmem>>
        %dma_start3A_168 = tpu.memref_squeeze %dma_start3A_167 : memref<1x128xi32, #tpu.memory_space<vmem>> -> memref<128xi32, #tpu.memory_space<vmem>>
        %dma_start3A_169 = arith.constant 0 : i32
        %dma_start3A_170 = arith.constant 0 : i32
        %dma_start3A_171 = tpu.memref_slice %arg16[%dma_start3A_169, %dma_start3A_170] : memref<1024x128xf32, #tpu.memory_space<vmem_shared>> -> memref<1024x128xf32, #tpu.memory_space<vmem_shared>>
        tpu.enqueue_indirect_dma source(%dma_start3A_165 : memref<128x128xf32, #tpu.memory_space<vmem>>) target(%dma_start3A_171 : memref<1024x128xf32, #tpu.memory_space<vmem_shared>>) offsets(%dma_start3A_168 : memref<128xi32, #tpu.memory_space<vmem>>) semaphore(%arg22 : memref<!tpu.dma_semaphore, #tpu.memory_space<semaphore_mem>>) {add = true}
        %dma_start3A_172 = arith.constant 0 : i32
        %dma_start3A_173 = arith.constant 0 : i32
        %dma_start3A_174 = tpu.memref_slice %arg8[%dma_start3A_172, %dma_start3A_173] : memref<2x128xi32, #tpu.memory_space<vmem>> -> memref<1x128xi32, #tpu.memory_space<vmem>>
        %dma_start3A_175 = tpu.memref_squeeze %dma_start3A_174 : memref<1x128xi32, #tpu.memory_space<vmem>> -> memref<128xi32, #tpu.memory_space<vmem>>
        %dma_start3A_176 = arith.constant 0 : i32
        %dma_start3A_177 = arith.constant 0 : i32
        %dma_start3A_178 = tpu.memref_slice %arg17[%dma_start3A_176, %dma_start3A_177] : memref<1024x128xf32, #tpu.memory_space<vmem_shared>> -> memref<1024x128xf32, #tpu.memory_space<vmem_shared>>
        tpu.enqueue_indirect_dma source(%arg10 : memref<128x128xf32, #tpu.memory_space<vmem>>) target(%dma_start3A_178 : memref<1024x128xf32, #tpu.memory_space<vmem_shared>>) offsets(%dma_start3A_175 : memref<128xi32, #tpu.memory_space<vmem>>) semaphore(%arg22 : memref<!tpu.dma_semaphore, #tpu.memory_space<semaphore_mem>>) {add = true}
        %dma_start3A_179 = arith.constant 1 : i32
        %dma_start3A_180 = arith.constant 128 : i32
        %dma_start3A_181 = arith.constant 0 : i32
        %dma_start3A_182 = tpu.memref_slice %arg6[%dma_start3A_180, %dma_start3A_181] : memref<256x128xf32, #tpu.memory_space<vmem>> -> memref<128x128xf32, #tpu.memory_space<vmem>>
        %dma_start3A_183 = arith.constant 0 : i32
        %dma_start3A_184 = tpu.memref_slice %arg8[%dma_start3A_179, %dma_start3A_183] : memref<2x128xi32, #tpu.memory_space<vmem>> -> memref<1x128xi32, #tpu.memory_space<vmem>>
        %dma_start3A_185 = tpu.memref_squeeze %dma_start3A_184 : memref<1x128xi32, #tpu.memory_space<vmem>> -> memref<128xi32, #tpu.memory_space<vmem>>
        %dma_start3A_186 = arith.constant 0 : i32
        %dma_start3A_187 = arith.constant 0 : i32
        %dma_start3A_188 = tpu.memref_slice %arg16[%dma_start3A_186, %dma_start3A_187] : memref<1024x128xf32, #tpu.memory_space<vmem_shared>> -> memref<1024x128xf32, #tpu.memory_space<vmem_shared>>
        tpu.enqueue_indirect_dma source(%dma_start3A_182 : memref<128x128xf32, #tpu.memory_space<vmem>>) target(%dma_start3A_188 : memref<1024x128xf32, #tpu.memory_space<vmem_shared>>) offsets(%dma_start3A_185 : memref<128xi32, #tpu.memory_space<vmem>>) semaphore(%arg22 : memref<!tpu.dma_semaphore, #tpu.memory_space<semaphore_mem>>) {add = true}
        %dma_start3A_189 = arith.constant 1 : i32
        %dma_start3A_190 = arith.constant 0 : i32
        %dma_start3A_191 = tpu.memref_slice %arg8[%dma_start3A_189, %dma_start3A_190] : memref<2x128xi32, #tpu.memory_space<vmem>> -> memref<1x128xi32, #tpu.memory_space<vmem>>
        %dma_start3A_192 = tpu.memref_squeeze %dma_start3A_191 : memref<1x128xi32, #tpu.memory_space<vmem>> -> memref<128xi32, #tpu.memory_space<vmem>>
        %dma_start3A_193 = arith.constant 0 : i32
        %dma_start3A_194 = arith.constant 0 : i32
        %dma_start3A_195 = tpu.memref_slice %arg17[%dma_start3A_193, %dma_start3A_194] : memref<1024x128xf32, #tpu.memory_space<vmem_shared>> -> memref<1024x128xf32, #tpu.memory_space<vmem_shared>>
        tpu.enqueue_indirect_dma source(%arg10 : memref<128x128xf32, #tpu.memory_space<vmem>>) target(%dma_start3A_195 : memref<1024x128xf32, #tpu.memory_space<vmem_shared>>) offsets(%dma_start3A_192 : memref<128xi32, #tpu.memory_space<vmem>>) semaphore(%arg22 : memref<!tpu.dma_semaphore, #tpu.memory_space<semaphore_mem>>) {add = true}
      } else {
      }
      %mul3A_117 = arith.constant 2 : i32
      %mul3A_118 = arith.muli %while3A_108, %mul3A_117 : i32
      %add3A_119 = arith.constant 1 : i32
      %add3A_120 = arith.addi %mul3A_118, %add3A_119 : i32
      %lt3A_121 = arith.cmpi slt, %add3A_120, %select_n3A : i32
      %convert_element_type3A_122 = arith.extui %lt3A_121 : i1 to i32
      %cond3A_123 = arith.constant 0 : i32
      %cond3A_124 = arith.cmpi ne, %convert_element_type3A_122, %cond3A_123 : i32
      scf.if %cond3A_124 {
        %ge3A_126 = arith.constant 1 : i32
        %ge3A_127 = arith.cmpi sge, %add3A_120, %ge3A_126 : i32
        %convert_element_type3A_128 = arith.extui %ge3A_127 : i1 to i32
        %cond3A_129 = arith.constant 0 : i32
        %cond3A_130 = arith.cmpi ne, %convert_element_type3A_128, %cond3A_129 : i32
        scf.if %cond3A_130 {
          %dma_wait3A_196 = arith.constant 0 : i32
          %dma_wait3A_197 = arith.constant 0 : i32
          %dma_wait3A_198 = arith.constant 0 : i32
          %dma_wait3A_199 = tpu.memref_slice %arg6[%dma_wait3A_197, %dma_wait3A_198] : memref<256x128xf32, #tpu.memory_space<vmem>> -> memref<128x128xf32, #tpu.memory_space<vmem>>
          %dma_wait3A_200 = arith.constant 0 : i32
          %dma_wait3A_201 = tpu.memref_slice %arg8[%dma_wait3A_196, %dma_wait3A_200] : memref<2x128xi32, #tpu.memory_space<vmem>> -> memref<1x128xi32, #tpu.memory_space<vmem>>
          %dma_wait3A_202 = tpu.memref_squeeze %dma_wait3A_201 : memref<1x128xi32, #tpu.memory_space<vmem>> -> memref<128xi32, #tpu.memory_space<vmem>>
          %dma_wait3A_203 = arith.constant 0 : i32
          %dma_wait3A_204 = arith.constant 0 : i32
          %dma_wait3A_205 = tpu.memref_slice %arg16[%dma_wait3A_203, %dma_wait3A_204] : memref<1024x128xf32, #tpu.memory_space<vmem_shared>> -> memref<1024x128xf32, #tpu.memory_space<vmem_shared>>
          tpu.wait_indirect_dma semaphore(%arg22 : memref<!tpu.dma_semaphore, #tpu.memory_space<semaphore_mem>>) src(%dma_wait3A_199 : memref<128x128xf32, #tpu.memory_space<vmem>>) dst(%dma_wait3A_205 : memref<1024x128xf32, #tpu.memory_space<vmem_shared>>)
          %dma_wait3A_206 = arith.constant 0 : i32
          %dma_wait3A_207 = arith.constant 0 : i32
          %dma_wait3A_208 = tpu.memref_slice %arg8[%dma_wait3A_206, %dma_wait3A_207] : memref<2x128xi32, #tpu.memory_space<vmem>> -> memref<1x128xi32, #tpu.memory_space<vmem>>
          %dma_wait3A_209 = tpu.memref_squeeze %dma_wait3A_208 : memref<1x128xi32, #tpu.memory_space<vmem>> -> memref<128xi32, #tpu.memory_space<vmem>>
          %dma_wait3A_210 = arith.constant 0 : i32
          %dma_wait3A_211 = arith.constant 0 : i32
          %dma_wait3A_212 = tpu.memref_slice %arg17[%dma_wait3A_210, %dma_wait3A_211] : memref<1024x128xf32, #tpu.memory_space<vmem_shared>> -> memref<1024x128xf32, #tpu.memory_space<vmem_shared>>
          tpu.wait_indirect_dma semaphore(%arg22 : memref<!tpu.dma_semaphore, #tpu.memory_space<semaphore_mem>>) src(%arg10 : memref<128x128xf32, #tpu.memory_space<vmem>>) dst(%dma_wait3A_212 : memref<1024x128xf32, #tpu.memory_space<vmem_shared>>)
          %dma_wait3A_213 = arith.constant 1 : i32
          %dma_wait3A_214 = arith.constant 128 : i32
          %dma_wait3A_215 = arith.constant 0 : i32
          %dma_wait3A_216 = tpu.memref_slice %arg6[%dma_wait3A_214, %dma_wait3A_215] : memref<256x128xf32, #tpu.memory_space<vmem>> -> memref<128x128xf32, #tpu.memory_space<vmem>>
          %dma_wait3A_217 = arith.constant 0 : i32
          %dma_wait3A_218 = tpu.memref_slice %arg8[%dma_wait3A_213, %dma_wait3A_217] : memref<2x128xi32, #tpu.memory_space<vmem>> -> memref<1x128xi32, #tpu.memory_space<vmem>>
          %dma_wait3A_219 = tpu.memref_squeeze %dma_wait3A_218 : memref<1x128xi32, #tpu.memory_space<vmem>> -> memref<128xi32, #tpu.memory_space<vmem>>
          %dma_wait3A_220 = arith.constant 0 : i32
          %dma_wait3A_221 = arith.constant 0 : i32
          %dma_wait3A_222 = tpu.memref_slice %arg16[%dma_wait3A_220, %dma_wait3A_221] : memref<1024x128xf32, #tpu.memory_space<vmem_shared>> -> memref<1024x128xf32, #tpu.memory_space<vmem_shared>>
          tpu.wait_indirect_dma semaphore(%arg22 : memref<!tpu.dma_semaphore, #tpu.memory_space<semaphore_mem>>) src(%dma_wait3A_216 : memref<128x128xf32, #tpu.memory_space<vmem>>) dst(%dma_wait3A_222 : memref<1024x128xf32, #tpu.memory_space<vmem_shared>>)
          %dma_wait3A_223 = arith.constant 1 : i32
          %dma_wait3A_224 = arith.constant 0 : i32
          %dma_wait3A_225 = tpu.memref_slice %arg8[%dma_wait3A_223, %dma_wait3A_224] : memref<2x128xi32, #tpu.memory_space<vmem>> -> memref<1x128xi32, #tpu.memory_space<vmem>>
          %dma_wait3A_226 = tpu.memref_squeeze %dma_wait3A_225 : memref<1x128xi32, #tpu.memory_space<vmem>> -> memref<128xi32, #tpu.memory_space<vmem>>
          %dma_wait3A_227 = arith.constant 0 : i32
          %dma_wait3A_228 = arith.constant 0 : i32
          %dma_wait3A_229 = tpu.memref_slice %arg17[%dma_wait3A_227, %dma_wait3A_228] : memref<1024x128xf32, #tpu.memory_space<vmem_shared>> -> memref<1024x128xf32, #tpu.memory_space<vmem_shared>>
          tpu.wait_indirect_dma semaphore(%arg22 : memref<!tpu.dma_semaphore, #tpu.memory_space<semaphore_mem>>) src(%arg10 : memref<128x128xf32, #tpu.memory_space<vmem>>) dst(%dma_wait3A_229 : memref<1024x128xf32, #tpu.memory_space<vmem_shared>>)
        } else {
        }
        %add3A_131 = arith.constant 1 : i32
        %add3A_132 = arith.addi %add3A_120, %add3A_131 : i32
        %lt3A_133 = arith.cmpi slt, %add3A_132, %select_n3A : i32
        %convert_element_type3A_134 = arith.extui %lt3A_133 : i1 to i32
        %cond3A_135 = arith.constant 0 : i32
        %cond3A_136 = arith.cmpi ne, %convert_element_type3A_134, %cond3A_135 : i32
        scf.if %cond3A_136 {
          %add3A_196 = arith.constant 1 : i32
          %add3A_197 = arith.addi %add3A_120, %add3A_196 : i32
          %mul3A_198 = arith.constant 32 : i32
          %mul3A_199 = arith.muli %add3A_197, %mul3A_198 : i32
          %add3A_200 = arith.addi %add3A, %mul3A_199 : i32
          %mul3A_201 = arith.constant 256 : i32
          %mul3A_202 = arith.muli %add3A_200, %mul3A_201 : i32
          %dma_start3A_203 = arith.constant 0 : i32
          %dma_start3A_204 = tpu.memref_slice %arg2[%mul3A_202, %dma_start3A_203] : memref<100000x128xf32, #tpu.memory_space<hbm>> -> memref<256x128xf32, #tpu.memory_space<hbm>>
          %dma_start3A_205 = arith.constant 0 : i32
          %dma_start3A_206 = tpu.memref_slice %arg2[%mul3A_202, %dma_start3A_205] : memref<100000x128xf32, #tpu.memory_space<hbm>> -> memref<256x128xf32, #tpu.memory_space<hbm>>
          tpu.enqueue_dma source(%dma_start3A_206 : memref<256x128xf32, #tpu.memory_space<hbm>>) target(%arg6 : memref<256x128xf32, #tpu.memory_space<vmem>>) target_semaphore(%arg18 : memref<!tpu.dma_semaphore, #tpu.memory_space<semaphore_mem>>)
          %dma_start3A_207 = arith.constant 0 : i32
          %dma_start3A_208 = arith.constant 0 : i32
          %dma_start3A_209 = tpu.memref_slice %arg8[%dma_start3A_207, %dma_start3A_208] : memref<2x128xi32, #tpu.memory_space<vmem>> -> memref<1x128xi32, #tpu.memory_space<vmem>>
          %dma_start3A_210 = tpu.memref_squeeze %dma_start3A_209 : memref<1x128xi32, #tpu.memory_space<vmem>> -> memref<128xi32, #tpu.memory_space<vmem>>
          %dma_start3A_211 = tpu.memref_slice %arg3[%mul3A_202] : memref<100000xi32, #tpu.memory_space<hbm>> -> memref<128xi32, #tpu.memory_space<hbm>>
          %dma_start3A_212 = arith.constant 0 : i32
          %dma_start3A_213 = tpu.memref_slice %arg8[%dma_start3A_207, %dma_start3A_212] : memref<2x128xi32, #tpu.memory_space<vmem>> -> memref<1x128xi32, #tpu.memory_space<vmem>>
          %dma_start3A_214 = tpu.memref_squeeze %dma_start3A_213 : memref<1x128xi32, #tpu.memory_space<vmem>> -> memref<128xi32, #tpu.memory_space<vmem>>
          %dma_start3A_215 = tpu.memref_slice %arg3[%mul3A_202] : memref<100000xi32, #tpu.memory_space<hbm>> -> memref<128xi32, #tpu.memory_space<hbm>>
          tpu.enqueue_dma source(%dma_start3A_215 : memref<128xi32, #tpu.memory_space<hbm>>) target(%dma_start3A_214 : memref<128xi32, #tpu.memory_space<vmem>>) target_semaphore(%arg20 : memref<!tpu.dma_semaphore, #tpu.memory_space<semaphore_mem>>)
          %add3A_216 = arith.constant 128 : i32
          %add3A_217 = arith.addi %mul3A_202, %add3A_216 : i32
          %dma_start3A_218 = arith.constant 1 : i32
          %dma_start3A_219 = arith.constant 0 : i32
          %dma_start3A_220 = tpu.memref_slice %arg8[%dma_start3A_218, %dma_start3A_219] : memref<2x128xi32, #tpu.memory_space<vmem>> -> memref<1x128xi32, #tpu.memory_space<vmem>>
          %dma_start3A_221 = tpu.memref_squeeze %dma_start3A_220 : memref<1x128xi32, #tpu.memory_space<vmem>> -> memref<128xi32, #tpu.memory_space<vmem>>
          %dma_start3A_222 = tpu.memref_slice %arg3[%add3A_217] : memref<100000xi32, #tpu.memory_space<hbm>> -> memref<128xi32, #tpu.memory_space<hbm>>
          %dma_start3A_223 = arith.constant 0 : i32
          %dma_start3A_224 = tpu.memref_slice %arg8[%dma_start3A_218, %dma_start3A_223] : memref<2x128xi32, #tpu.memory_space<vmem>> -> memref<1x128xi32, #tpu.memory_space<vmem>>
          %dma_start3A_225 = tpu.memref_squeeze %dma_start3A_224 : memref<1x128xi32, #tpu.memory_space<vmem>> -> memref<128xi32, #tpu.memory_space<vmem>>
          %dma_start3A_226 = tpu.memref_slice %arg3[%add3A_217] : memref<100000xi32, #tpu.memory_space<hbm>> -> memref<128xi32, #tpu.memory_space<hbm>>
          tpu.enqueue_dma source(%dma_start3A_226 : memref<128xi32, #tpu.memory_space<hbm>>) target(%dma_start3A_225 : memref<128xi32, #tpu.memory_space<vmem>>) target_semaphore(%arg20 : memref<!tpu.dma_semaphore, #tpu.memory_space<semaphore_mem>>)
        } else {
        }
        %mul3A_137 = arith.constant 32 : i32
        %mul3A_138 = arith.muli %add3A_120, %mul3A_137 : i32
        %add3A_139 = arith.addi %add3A, %mul3A_138 : i32
        %mul3A_140 = arith.constant 256 : i32
        %mul3A_141 = arith.muli %add3A_139, %mul3A_140 : i32
        %dma_wait3A = arith.constant 0 : i32
        %dma_wait3A_142 = tpu.memref_slice %arg2[%mul3A_141, %dma_wait3A] : memref<100000x128xf32, #tpu.memory_space<hbm>> -> memref<256x128xf32, #tpu.memory_space<hbm>>
        %dma_wait3A_143 = arith.constant 0 : i32
        %dma_wait3A_144 = tpu.memref_slice %arg2[%mul3A_141, %dma_wait3A_143] : memref<100000x128xf32, #tpu.memory_space<hbm>> -> memref<256x128xf32, #tpu.memory_space<hbm>>
        tpu.wait_dma2 semaphore(%arg19 : memref<!tpu.dma_semaphore, #tpu.memory_space<semaphore_mem>>) src(%dma_wait3A_144 : memref<256x128xf32, #tpu.memory_space<hbm>>) dst(%arg7 : memref<256x128xf32, #tpu.memory_space<vmem>>)
        %dma_wait3A_145 = arith.constant 0 : i32
        %dma_wait3A_146 = arith.constant 0 : i32
        %dma_wait3A_147 = tpu.memref_slice %arg9[%dma_wait3A_145, %dma_wait3A_146] : memref<2x128xi32, #tpu.memory_space<vmem>> -> memref<1x128xi32, #tpu.memory_space<vmem>>
        %dma_wait3A_148 = tpu.memref_squeeze %dma_wait3A_147 : memref<1x128xi32, #tpu.memory_space<vmem>> -> memref<128xi32, #tpu.memory_space<vmem>>
        %dma_wait3A_149 = tpu.memref_slice %arg3[%mul3A_141] : memref<100000xi32, #tpu.memory_space<hbm>> -> memref<128xi32, #tpu.memory_space<hbm>>
        %dma_wait3A_150 = arith.constant 0 : i32
        %dma_wait3A_151 = tpu.memref_slice %arg9[%dma_wait3A_145, %dma_wait3A_150] : memref<2x128xi32, #tpu.memory_space<vmem>> -> memref<1x128xi32, #tpu.memory_space<vmem>>
        %dma_wait3A_152 = tpu.memref_squeeze %dma_wait3A_151 : memref<1x128xi32, #tpu.memory_space<vmem>> -> memref<128xi32, #tpu.memory_space<vmem>>
        %dma_wait3A_153 = tpu.memref_slice %arg3[%mul3A_141] : memref<100000xi32, #tpu.memory_space<hbm>> -> memref<128xi32, #tpu.memory_space<hbm>>
        tpu.wait_dma2 semaphore(%arg21 : memref<!tpu.dma_semaphore, #tpu.memory_space<semaphore_mem>>) src(%dma_wait3A_153 : memref<128xi32, #tpu.memory_space<hbm>>) dst(%dma_wait3A_152 : memref<128xi32, #tpu.memory_space<vmem>>)
        %dma_wait3A_154 = arith.constant 1 : i32
        %dma_wait3A_155 = arith.constant 0 : i32
        %dma_wait3A_156 = tpu.memref_slice %arg9[%dma_wait3A_154, %dma_wait3A_155] : memref<2x128xi32, #tpu.memory_space<vmem>> -> memref<1x128xi32, #tpu.memory_space<vmem>>
        %dma_wait3A_157 = tpu.memref_squeeze %dma_wait3A_156 : memref<1x128xi32, #tpu.memory_space<vmem>> -> memref<128xi32, #tpu.memory_space<vmem>>
        %dma_wait3A_158 = tpu.memref_slice %arg3[%mul3A_141] : memref<100000xi32, #tpu.memory_space<hbm>> -> memref<128xi32, #tpu.memory_space<hbm>>
        %dma_wait3A_159 = arith.constant 0 : i32
        %dma_wait3A_160 = tpu.memref_slice %arg9[%dma_wait3A_154, %dma_wait3A_159] : memref<2x128xi32, #tpu.memory_space<vmem>> -> memref<1x128xi32, #tpu.memory_space<vmem>>
        %dma_wait3A_161 = tpu.memref_squeeze %dma_wait3A_160 : memref<1x128xi32, #tpu.memory_space<vmem>> -> memref<128xi32, #tpu.memory_space<vmem>>
        %dma_wait3A_162 = tpu.memref_slice %arg3[%mul3A_141] : memref<100000xi32, #tpu.memory_space<hbm>> -> memref<128xi32, #tpu.memory_space<hbm>>
        tpu.wait_dma2 semaphore(%arg21 : memref<!tpu.dma_semaphore, #tpu.memory_space<semaphore_mem>>) src(%dma_wait3A_162 : memref<128xi32, #tpu.memory_space<hbm>>) dst(%dma_wait3A_161 : memref<128xi32, #tpu.memory_space<vmem>>)
        %dma_start3A = arith.constant 0 : i32
        %dma_start3A_163 = arith.constant 0 : i32
        %dma_start3A_164 = arith.constant 0 : i32
        %dma_start3A_165 = tpu.memref_slice %arg7[%dma_start3A_163, %dma_start3A_164] : memref<256x128xf32, #tpu.memory_space<vmem>> -> memref<128x128xf32, #tpu.memory_space<vmem>>
        %dma_start3A_166 = arith.constant 0 : i32
        %dma_start3A_167 = tpu.memref_slice %arg9[%dma_start3A, %dma_start3A_166] : memref<2x128xi32, #tpu.memory_space<vmem>> -> memref<1x128xi32, #tpu.memory_space<vmem>>
        %dma_start3A_168 = tpu.memref_squeeze %dma_start3A_167 : memref<1x128xi32, #tpu.memory_space<vmem>> -> memref<128xi32, #tpu.memory_space<vmem>>
        %dma_start3A_169 = arith.constant 0 : i32
        %dma_start3A_170 = arith.constant 0 : i32
        %dma_start3A_171 = tpu.memref_slice %arg16[%dma_start3A_169, %dma_start3A_170] : memref<1024x128xf32, #tpu.memory_space<vmem_shared>> -> memref<1024x128xf32, #tpu.memory_space<vmem_shared>>
        tpu.enqueue_indirect_dma source(%dma_start3A_165 : memref<128x128xf32, #tpu.memory_space<vmem>>) target(%dma_start3A_171 : memref<1024x128xf32, #tpu.memory_space<vmem_shared>>) offsets(%dma_start3A_168 : memref<128xi32, #tpu.memory_space<vmem>>) semaphore(%arg23 : memref<!tpu.dma_semaphore, #tpu.memory_space<semaphore_mem>>) {add = true}
        %dma_start3A_172 = arith.constant 0 : i32
        %dma_start3A_173 = arith.constant 0 : i32
        %dma_start3A_174 = tpu.memref_slice %arg9[%dma_start3A_172, %dma_start3A_173] : memref<2x128xi32, #tpu.memory_space<vmem>> -> memref<1x128xi32, #tpu.memory_space<vmem>>
        %dma_start3A_175 = tpu.memref_squeeze %dma_start3A_174 : memref<1x128xi32, #tpu.memory_space<vmem>> -> memref<128xi32, #tpu.memory_space<vmem>>
        %dma_start3A_176 = arith.constant 0 : i32
        %dma_start3A_177 = arith.constant 0 : i32
        %dma_start3A_178 = tpu.memref_slice %arg17[%dma_start3A_176, %dma_start3A_177] : memref<1024x128xf32, #tpu.memory_space<vmem_shared>> -> memref<1024x128xf32, #tpu.memory_space<vmem_shared>>
        tpu.enqueue_indirect_dma source(%arg10 : memref<128x128xf32, #tpu.memory_space<vmem>>) target(%dma_start3A_178 : memref<1024x128xf32, #tpu.memory_space<vmem_shared>>) offsets(%dma_start3A_175 : memref<128xi32, #tpu.memory_space<vmem>>) semaphore(%arg23 : memref<!tpu.dma_semaphore, #tpu.memory_space<semaphore_mem>>) {add = true}
        %dma_start3A_179 = arith.constant 1 : i32
        %dma_start3A_180 = arith.constant 128 : i32
        %dma_start3A_181 = arith.constant 0 : i32
        %dma_start3A_182 = tpu.memref_slice %arg7[%dma_start3A_180, %dma_start3A_181] : memref<256x128xf32, #tpu.memory_space<vmem>> -> memref<128x128xf32, #tpu.memory_space<vmem>>
        %dma_start3A_183 = arith.constant 0 : i32
        %dma_start3A_184 = tpu.memref_slice %arg9[%dma_start3A_179, %dma_start3A_183] : memref<2x128xi32, #tpu.memory_space<vmem>> -> memref<1x128xi32, #tpu.memory_space<vmem>>
        %dma_start3A_185 = tpu.memref_squeeze %dma_start3A_184 : memref<1x128xi32, #tpu.memory_space<vmem>> -> memref<128xi32, #tpu.memory_space<vmem>>
        %dma_start3A_186 = arith.constant 0 : i32
        %dma_start3A_187 = arith.constant 0 : i32
        %dma_start3A_188 = tpu.memref_slice %arg16[%dma_start3A_186, %dma_start3A_187] : memref<1024x128xf32, #tpu.memory_space<vmem_shared>> -> memref<1024x128xf32, #tpu.memory_space<vmem_shared>>
        tpu.enqueue_indirect_dma source(%dma_start3A_182 : memref<128x128xf32, #tpu.memory_space<vmem>>) target(%dma_start3A_188 : memref<1024x128xf32, #tpu.memory_space<vmem_shared>>) offsets(%dma_start3A_185 : memref<128xi32, #tpu.memory_space<vmem>>) semaphore(%arg23 : memref<!tpu.dma_semaphore, #tpu.memory_space<semaphore_mem>>) {add = true}
        %dma_start3A_189 = arith.constant 1 : i32
        %dma_start3A_190 = arith.constant 0 : i32
        %dma_start3A_191 = tpu.memref_slice %arg9[%dma_start3A_189, %dma_start3A_190] : memref<2x128xi32, #tpu.memory_space<vmem>> -> memref<1x128xi32, #tpu.memory_space<vmem>>
        %dma_start3A_192 = tpu.memref_squeeze %dma_start3A_191 : memref<1x128xi32, #tpu.memory_space<vmem>> -> memref<128xi32, #tpu.memory_space<vmem>>
        %dma_start3A_193 = arith.constant 0 : i32
        %dma_start3A_194 = arith.constant 0 : i32
        %dma_start3A_195 = tpu.memref_slice %arg17[%dma_start3A_193, %dma_start3A_194] : memref<1024x128xf32, #tpu.memory_space<vmem_shared>> -> memref<1024x128xf32, #tpu.memory_space<vmem_shared>>
        tpu.enqueue_indirect_dma source(%arg10 : memref<128x128xf32, #tpu.memory_space<vmem>>) target(%dma_start3A_195 : memref<1024x128xf32, #tpu.memory_space<vmem_shared>>) offsets(%dma_start3A_192 : memref<128xi32, #tpu.memory_space<vmem>>) semaphore(%arg23 : memref<!tpu.dma_semaphore, #tpu.memory_space<semaphore_mem>>) {add = true}
      } else {
      }
      %while3A_125 = arith.constant 0 : i32
      scf.yield %while3A_125 : i32
    }
    %while3A_70 = arith.constant 1 : i32
    %while3A_71 = scf.for %while3A_108 = %while3A_67 to %while3A_63 step %while3A_70 iter_args(%while3A_109 = %while3A_69) -> (i32)  : i32 {
      %mul3A_110 = arith.constant 2 : i32
      %mul3A_111 = arith.muli %while3A_108, %mul3A_110 : i32
      %add3A_112 = arith.constant 0 : i32
      %add3A_113 = arith.addi %mul3A_111, %add3A_112 : i32
      %lt3A = arith.cmpi slt, %add3A_113, %select_n3A : i32
      %convert_element_type3A_114 = arith.extui %lt3A : i1 to i32
      %cond3A_115 = arith.constant 0 : i32
      %cond3A_116 = arith.cmpi ne, %convert_element_type3A_114, %cond3A_115 : i32
      scf.if %cond3A_116 {
        %ge3A_126 = arith.constant 1 : i32
        %ge3A_127 = arith.cmpi sge, %add3A_113, %ge3A_126 : i32
        %convert_element_type3A_128 = arith.extui %ge3A_127 : i1 to i32
        %cond3A_129 = arith.constant 0 : i32
        %cond3A_130 = arith.cmpi ne, %convert_element_type3A_128, %cond3A_129 : i32
        scf.if %cond3A_130 {
          %dma_wait3A_196 = arith.constant 0 : i32
          %dma_wait3A_197 = arith.constant 0 : i32
          %dma_wait3A_198 = arith.constant 0 : i32
          %dma_wait3A_199 = tpu.memref_slice %arg7[%dma_wait3A_197, %dma_wait3A_198] : memref<256x128xf32, #tpu.memory_space<vmem>> -> memref<128x128xf32, #tpu.memory_space<vmem>>
          %dma_wait3A_200 = arith.constant 0 : i32
          %dma_wait3A_201 = tpu.memref_slice %arg9[%dma_wait3A_196, %dma_wait3A_200] : memref<2x128xi32, #tpu.memory_space<vmem>> -> memref<1x128xi32, #tpu.memory_space<vmem>>
          %dma_wait3A_202 = tpu.memref_squeeze %dma_wait3A_201 : memref<1x128xi32, #tpu.memory_space<vmem>> -> memref<128xi32, #tpu.memory_space<vmem>>
          %dma_wait3A_203 = arith.constant 0 : i32
          %dma_wait3A_204 = arith.constant 0 : i32
          %dma_wait3A_205 = tpu.memref_slice %arg16[%dma_wait3A_203, %dma_wait3A_204] : memref<1024x128xf32, #tpu.memory_space<vmem_shared>> -> memref<1024x128xf32, #tpu.memory_space<vmem_shared>>
          tpu.wait_indirect_dma semaphore(%arg23 : memref<!tpu.dma_semaphore, #tpu.memory_space<semaphore_mem>>) src(%dma_wait3A_199 : memref<128x128xf32, #tpu.memory_space<vmem>>) dst(%dma_wait3A_205 : memref<1024x128xf32, #tpu.memory_space<vmem_shared>>)
          %dma_wait3A_206 = arith.constant 0 : i32
          %dma_wait3A_207 = arith.constant 0 : i32
          %dma_wait3A_208 = tpu.memref_slice %arg9[%dma_wait3A_206, %dma_wait3A_207] : memref<2x128xi32, #tpu.memory_space<vmem>> -> memref<1x128xi32, #tpu.memory_space<vmem>>
          %dma_wait3A_209 = tpu.memref_squeeze %dma_wait3A_208 : memref<1x128xi32, #tpu.memory_space<vmem>> -> memref<128xi32, #tpu.memory_space<vmem>>
          %dma_wait3A_210 = arith.constant 0 : i32
          %dma_wait3A_211 = arith.constant 0 : i32
          %dma_wait3A_212 = tpu.memref_slice %arg17[%dma_wait3A_210, %dma_wait3A_211] : memref<1024x128xf32, #tpu.memory_space<vmem_shared>> -> memref<1024x128xf32, #tpu.memory_space<vmem_shared>>
          tpu.wait_indirect_dma semaphore(%arg23 : memref<!tpu.dma_semaphore, #tpu.memory_space<semaphore_mem>>) src(%arg10 : memref<128x128xf32, #tpu.memory_space<vmem>>) dst(%dma_wait3A_212 : memref<1024x128xf32, #tpu.memory_space<vmem_shared>>)
          %dma_wait3A_213 = arith.constant 1 : i32
          %dma_wait3A_214 = arith.constant 128 : i32
          %dma_wait3A_215 = arith.constant 0 : i32
          %dma_wait3A_216 = tpu.memref_slice %arg7[%dma_wait3A_214, %dma_wait3A_215] : memref<256x128xf32, #tpu.memory_space<vmem>> -> memref<128x128xf32, #tpu.memory_space<vmem>>
          %dma_wait3A_217 = arith.constant 0 : i32
          %dma_wait3A_218 = tpu.memref_slice %arg9[%dma_wait3A_213, %dma_wait3A_217] : memref<2x128xi32, #tpu.memory_space<vmem>> -> memref<1x128xi32, #tpu.memory_space<vmem>>
          %dma_wait3A_219 = tpu.memref_squeeze %dma_wait3A_218 : memref<1x128xi32, #tpu.memory_space<vmem>> -> memref<128xi32, #tpu.memory_space<vmem>>
          %dma_wait3A_220 = arith.constant 0 : i32
          %dma_wait3A_221 = arith.constant 0 : i32
          %dma_wait3A_222 = tpu.memref_slice %arg16[%dma_wait3A_220, %dma_wait3A_221] : memref<1024x128xf32, #tpu.memory_space<vmem_shared>> -> memref<1024x128xf32, #tpu.memory_space<vmem_shared>>
          tpu.wait_indirect_dma semaphore(%arg23 : memref<!tpu.dma_semaphore, #tpu.memory_space<semaphore_mem>>) src(%dma_wait3A_216 : memref<128x128xf32, #tpu.memory_space<vmem>>) dst(%dma_wait3A_222 : memref<1024x128xf32, #tpu.memory_space<vmem_shared>>)
          %dma_wait3A_223 = arith.constant 1 : i32
          %dma_wait3A_224 = arith.constant 0 : i32
          %dma_wait3A_225 = tpu.memref_slice %arg9[%dma_wait3A_223, %dma_wait3A_224] : memref<2x128xi32, #tpu.memory_space<vmem>> -> memref<1x128xi32, #tpu.memory_space<vmem>>
          %dma_wait3A_226 = tpu.memref_squeeze %dma_wait3A_225 : memref<1x128xi32, #tpu.memory_space<vmem>> -> memref<128xi32, #tpu.memory_space<vmem>>
          %dma_wait3A_227 = arith.constant 0 : i32
          %dma_wait3A_228 = arith.constant 0 : i32
          %dma_wait3A_229 = tpu.memref_slice %arg17[%dma_wait3A_227, %dma_wait3A_228] : memref<1024x128xf32, #tpu.memory_space<vmem_shared>> -> memref<1024x128xf32, #tpu.memory_space<vmem_shared>>
          tpu.wait_indirect_dma semaphore(%arg23 : memref<!tpu.dma_semaphore, #tpu.memory_space<semaphore_mem>>) src(%arg10 : memref<128x128xf32, #tpu.memory_space<vmem>>) dst(%dma_wait3A_229 : memref<1024x128xf32, #tpu.memory_space<vmem_shared>>)
        } else {
        }
        %add3A_131 = arith.constant 1 : i32
        %add3A_132 = arith.addi %add3A_113, %add3A_131 : i32
        %lt3A_133 = arith.cmpi slt, %add3A_132, %select_n3A : i32
        %convert_element_type3A_134 = arith.extui %lt3A_133 : i1 to i32
        %cond3A_135 = arith.constant 0 : i32
        %cond3A_136 = arith.cmpi ne, %convert_element_type3A_134, %cond3A_135 : i32
        scf.if %cond3A_136 {
          %add3A_196 = arith.constant 1 : i32
          %add3A_197 = arith.addi %add3A_113, %add3A_196 : i32
          %mul3A_198 = arith.constant 32 : i32
          %mul3A_199 = arith.muli %add3A_197, %mul3A_198 : i32
          %add3A_200 = arith.addi %add3A, %mul3A_199 : i32
          %mul3A_201 = arith.constant 256 : i32
          %mul3A_202 = arith.muli %add3A_200, %mul3A_201 : i32
          %dma_start3A_203 = arith.constant 0 : i32
          %dma_start3A_204 = tpu.memref_slice %arg2[%mul3A_202, %dma_start3A_203] : memref<100000x128xf32, #tpu.memory_space<hbm>> -> memref<256x128xf32, #tpu.memory_space<hbm>>
          %dma_start3A_205 = arith.constant 0 : i32
          %dma_start3A_206 = tpu.memref_slice %arg2[%mul3A_202, %dma_start3A_205] : memref<100000x128xf32, #tpu.memory_space<hbm>> -> memref<256x128xf32, #tpu.memory_space<hbm>>
          tpu.enqueue_dma source(%dma_start3A_206 : memref<256x128xf32, #tpu.memory_space<hbm>>) target(%arg7 : memref<256x128xf32, #tpu.memory_space<vmem>>) target_semaphore(%arg19 : memref<!tpu.dma_semaphore, #tpu.memory_space<semaphore_mem>>)
          %dma_start3A_207 = arith.constant 0 : i32
          %dma_start3A_208 = arith.constant 0 : i32
          %dma_start3A_209 = tpu.memref_slice %arg9[%dma_start3A_207, %dma_start3A_208] : memref<2x128xi32, #tpu.memory_space<vmem>> -> memref<1x128xi32, #tpu.memory_space<vmem>>
          %dma_start3A_210 = tpu.memref_squeeze %dma_start3A_209 : memref<1x128xi32, #tpu.memory_space<vmem>> -> memref<128xi32, #tpu.memory_space<vmem>>
          %dma_start3A_211 = tpu.memref_slice %arg3[%mul3A_202] : memref<100000xi32, #tpu.memory_space<hbm>> -> memref<128xi32, #tpu.memory_space<hbm>>
          %dma_start3A_212 = arith.constant 0 : i32
          %dma_start3A_213 = tpu.memref_slice %arg9[%dma_start3A_207, %dma_start3A_212] : memref<2x128xi32, #tpu.memory_space<vmem>> -> memref<1x128xi32, #tpu.memory_space<vmem>>
          %dma_start3A_214 = tpu.memref_squeeze %dma_start3A_213 : memref<1x128xi32, #tpu.memory_space<vmem>> -> memref<128xi32, #tpu.memory_space<vmem>>
          %dma_start3A_215 = tpu.memref_slice %arg3[%mul3A_202] : memref<100000xi32, #tpu.memory_space<hbm>> -> memref<128xi32, #tpu.memory_space<hbm>>
          tpu.enqueue_dma source(%dma_start3A_215 : memref<128xi32, #tpu.memory_space<hbm>>) target(%dma_start3A_214 : memref<128xi32, #tpu.memory_space<vmem>>) target_semaphore(%arg21 : memref<!tpu.dma_semaphore, #tpu.memory_space<semaphore_mem>>)
          %add3A_216 = arith.constant 128 : i32
          %add3A_217 = arith.addi %mul3A_202, %add3A_216 : i32
          %dma_start3A_218 = arith.constant 1 : i32
          %dma_start3A_219 = arith.constant 0 : i32
          %dma_start3A_220 = tpu.memref_slice %arg9[%dma_start3A_218, %dma_start3A_219] : memref<2x128xi32, #tpu.memory_space<vmem>> -> memref<1x128xi32, #tpu.memory_space<vmem>>
          %dma_start3A_221 = tpu.memref_squeeze %dma_start3A_220 : memref<1x128xi32, #tpu.memory_space<vmem>> -> memref<128xi32, #tpu.memory_space<vmem>>
          %dma_start3A_222 = tpu.memref_slice %arg3[%add3A_217] : memref<100000xi32, #tpu.memory_space<hbm>> -> memref<128xi32, #tpu.memory_space<hbm>>
          %dma_start3A_223 = arith.constant 0 : i32
          %dma_start3A_224 = tpu.memref_slice %arg9[%dma_start3A_218, %dma_start3A_223] : memref<2x128xi32, #tpu.memory_space<vmem>> -> memref<1x128xi32, #tpu.memory_space<vmem>>
          %dma_start3A_225 = tpu.memref_squeeze %dma_start3A_224 : memref<1x128xi32, #tpu.memory_space<vmem>> -> memref<128xi32, #tpu.memory_space<vmem>>
          %dma_start3A_226 = tpu.memref_slice %arg3[%add3A_217] : memref<100000xi32, #tpu.memory_space<hbm>> -> memref<128xi32, #tpu.memory_space<hbm>>
          tpu.enqueue_dma source(%dma_start3A_226 : memref<128xi32, #tpu.memory_space<hbm>>) target(%dma_start3A_225 : memref<128xi32, #tpu.memory_space<vmem>>) target_semaphore(%arg21 : memref<!tpu.dma_semaphore, #tpu.memory_space<semaphore_mem>>)
        } else {
        }
        %mul3A_137 = arith.constant 32 : i32
        %mul3A_138 = arith.muli %add3A_113, %mul3A_137 : i32
        %add3A_139 = arith.addi %add3A, %mul3A_138 : i32
        %mul3A_140 = arith.constant 256 : i32
        %mul3A_141 = arith.muli %add3A_139, %mul3A_140 : i32
        %dma_wait3A = arith.constant 0 : i32
        %dma_wait3A_142 = tpu.memref_slice %arg2[%mul3A_141, %dma_wait3A] : memref<100000x128xf32, #tpu.memory_space<hbm>> -> memref<256x128xf32, #tpu.memory_space<hbm>>
        %dma_wait3A_143 = arith.constant 0 : i32
        %dma_wait3A_144 = tpu.memref_slice %arg2[%mul3A_141, %dma_wait3A_143] : memref<100000x128xf32, #tpu.memory_space<hbm>> -> memref<256x128xf32, #tpu.memory_space<hbm>>
        tpu.wait_dma2 semaphore(%arg18 : memref<!tpu.dma_semaphore, #tpu.memory_space<semaphore_mem>>) src(%dma_wait3A_144 : memref<256x128xf32, #tpu.memory_space<hbm>>) dst(%arg6 : memref<256x128xf32, #tpu.memory_space<vmem>>)
        %dma_wait3A_145 = arith.constant 0 : i32
        %dma_wait3A_146 = arith.constant 0 : i32
        %dma_wait3A_147 = tpu.memref_slice %arg8[%dma_wait3A_145, %dma_wait3A_146] : memref<2x128xi32, #tpu.memory_space<vmem>> -> memref<1x128xi32, #tpu.memory_space<vmem>>
        %dma_wait3A_148 = tpu.memref_squeeze %dma_wait3A_147 : memref<1x128xi32, #tpu.memory_space<vmem>> -> memref<128xi32, #tpu.memory_space<vmem>>
        %dma_wait3A_149 = tpu.memref_slice %arg3[%mul3A_141] : memref<100000xi32, #tpu.memory_space<hbm>> -> memref<128xi32, #tpu.memory_space<hbm>>
        %dma_wait3A_150 = arith.constant 0 : i32
        %dma_wait3A_151 = tpu.memref_slice %arg8[%dma_wait3A_145, %dma_wait3A_150] : memref<2x128xi32, #tpu.memory_space<vmem>> -> memref<1x128xi32, #tpu.memory_space<vmem>>
        %dma_wait3A_152 = tpu.memref_squeeze %dma_wait3A_151 : memref<1x128xi32, #tpu.memory_space<vmem>> -> memref<128xi32, #tpu.memory_space<vmem>>
        %dma_wait3A_153 = tpu.memref_slice %arg3[%mul3A_141] : memref<100000xi32, #tpu.memory_space<hbm>> -> memref<128xi32, #tpu.memory_space<hbm>>
        tpu.wait_dma2 semaphore(%arg20 : memref<!tpu.dma_semaphore, #tpu.memory_space<semaphore_mem>>) src(%dma_wait3A_153 : memref<128xi32, #tpu.memory_space<hbm>>) dst(%dma_wait3A_152 : memref<128xi32, #tpu.memory_space<vmem>>)
        %dma_wait3A_154 = arith.constant 1 : i32
        %dma_wait3A_155 = arith.constant 0 : i32
        %dma_wait3A_156 = tpu.memref_slice %arg8[%dma_wait3A_154, %dma_wait3A_155] : memref<2x128xi32, #tpu.memory_space<vmem>> -> memref<1x128xi32, #tpu.memory_space<vmem>>
        %dma_wait3A_157 = tpu.memref_squeeze %dma_wait3A_156 : memref<1x128xi32, #tpu.memory_space<vmem>> -> memref<128xi32, #tpu.memory_space<vmem>>
        %dma_wait3A_158 = tpu.memref_slice %arg3[%mul3A_141] : memref<100000xi32, #tpu.memory_space<hbm>> -> memref<128xi32, #tpu.memory_space<hbm>>
        %dma_wait3A_159 = arith.constant 0 : i32
        %dma_wait3A_160 = tpu.memref_slice %arg8[%dma_wait3A_154, %dma_wait3A_159] : memref<2x128xi32, #tpu.memory_space<vmem>> -> memref<1x128xi32, #tpu.memory_space<vmem>>
        %dma_wait3A_161 = tpu.memref_squeeze %dma_wait3A_160 : memref<1x128xi32, #tpu.memory_space<vmem>> -> memref<128xi32, #tpu.memory_space<vmem>>
        %dma_wait3A_162 = tpu.memref_slice %arg3[%mul3A_141] : memref<100000xi32, #tpu.memory_space<hbm>> -> memref<128xi32, #tpu.memory_space<hbm>>
        tpu.wait_dma2 semaphore(%arg20 : memref<!tpu.dma_semaphore, #tpu.memory_space<semaphore_mem>>) src(%dma_wait3A_162 : memref<128xi32, #tpu.memory_space<hbm>>) dst(%dma_wait3A_161 : memref<128xi32, #tpu.memory_space<vmem>>)
        %dma_start3A = arith.constant 0 : i32
        %dma_start3A_163 = arith.constant 0 : i32
        %dma_start3A_164 = arith.constant 0 : i32
        %dma_start3A_165 = tpu.memref_slice %arg6[%dma_start3A_163, %dma_start3A_164] : memref<256x128xf32, #tpu.memory_space<vmem>> -> memref<128x128xf32, #tpu.memory_space<vmem>>
        %dma_start3A_166 = arith.constant 0 : i32
        %dma_start3A_167 = tpu.memref_slice %arg8[%dma_start3A, %dma_start3A_166] : memref<2x128xi32, #tpu.memory_space<vmem>> -> memref<1x128xi32, #tpu.memory_space<vmem>>
        %dma_start3A_168 = tpu.memref_squeeze %dma_start3A_167 : memref<1x128xi32, #tpu.memory_space<vmem>> -> memref<128xi32, #tpu.memory_space<vmem>>
        %dma_start3A_169 = arith.constant 0 : i32
        %dma_start3A_170 = arith.constant 0 : i32
        %dma_start3A_171 = tpu.memref_slice %arg16[%dma_start3A_169, %dma_start3A_170] : memref<1024x128xf32, #tpu.memory_space<vmem_shared>> -> memref<1024x128xf32, #tpu.memory_space<vmem_shared>>
        tpu.enqueue_indirect_dma source(%dma_start3A_165 : memref<128x128xf32, #tpu.memory_space<vmem>>) target(%dma_start3A_171 : memref<1024x128xf32, #tpu.memory_space<vmem_shared>>) offsets(%dma_start3A_168 : memref<128xi32, #tpu.memory_space<vmem>>) semaphore(%arg22 : memref<!tpu.dma_semaphore, #tpu.memory_space<semaphore_mem>>) {add = true}
        %dma_start3A_172 = arith.constant 0 : i32
        %dma_start3A_173 = arith.constant 0 : i32
        %dma_start3A_174 = tpu.memref_slice %arg8[%dma_start3A_172, %dma_start3A_173] : memref<2x128xi32, #tpu.memory_space<vmem>> -> memref<1x128xi32, #tpu.memory_space<vmem>>
        %dma_start3A_175 = tpu.memref_squeeze %dma_start3A_174 : memref<1x128xi32, #tpu.memory_space<vmem>> -> memref<128xi32, #tpu.memory_space<vmem>>
        %dma_start3A_176 = arith.constant 0 : i32
        %dma_start3A_177 = arith.constant 0 : i32
        %dma_start3A_178 = tpu.memref_slice %arg17[%dma_start3A_176, %dma_start3A_177] : memref<1024x128xf32, #tpu.memory_space<vmem_shared>> -> memref<1024x128xf32, #tpu.memory_space<vmem_shared>>
        tpu.enqueue_indirect_dma source(%arg10 : memref<128x128xf32, #tpu.memory_space<vmem>>) target(%dma_start3A_178 : memref<1024x128xf32, #tpu.memory_space<vmem_shared>>) offsets(%dma_start3A_175 : memref<128xi32, #tpu.memory_space<vmem>>) semaphore(%arg22 : memref<!tpu.dma_semaphore, #tpu.memory_space<semaphore_mem>>) {add = true}
        %dma_start3A_179 = arith.constant 1 : i32
        %dma_start3A_180 = arith.constant 128 : i32
        %dma_start3A_181 = arith.constant 0 : i32
        %dma_start3A_182 = tpu.memref_slice %arg6[%dma_start3A_180, %dma_start3A_181] : memref<256x128xf32, #tpu.memory_space<vmem>> -> memref<128x128xf32, #tpu.memory_space<vmem>>
        %dma_start3A_183 = arith.constant 0 : i32
        %dma_start3A_184 = tpu.memref_slice %arg8[%dma_start3A_179, %dma_start3A_183] : memref<2x128xi32, #tpu.memory_space<vmem>> -> memref<1x128xi32, #tpu.memory_space<vmem>>
        %dma_start3A_185 = tpu.memref_squeeze %dma_start3A_184 : memref<1x128xi32, #tpu.memory_space<vmem>> -> memref<128xi32, #tpu.memory_space<vmem>>
        %dma_start3A_186 = arith.constant 0 : i32
        %dma_start3A_187 = arith.constant 0 : i32
        %dma_start3A_188 = tpu.memref_slice %arg16[%dma_start3A_186, %dma_start3A_187] : memref<1024x128xf32, #tpu.memory_space<vmem_shared>> -> memref<1024x128xf32, #tpu.memory_space<vmem_shared>>
        tpu.enqueue_indirect_dma source(%dma_start3A_182 : memref<128x128xf32, #tpu.memory_space<vmem>>) target(%dma_start3A_188 : memref<1024x128xf32, #tpu.memory_space<vmem_shared>>) offsets(%dma_start3A_185 : memref<128xi32, #tpu.memory_space<vmem>>) semaphore(%arg22 : memref<!tpu.dma_semaphore, #tpu.memory_space<semaphore_mem>>) {add = true}
        %dma_start3A_189 = arith.constant 1 : i32
        %dma_start3A_190 = arith.constant 0 : i32
        %dma_start3A_191 = tpu.memref_slice %arg8[%dma_start3A_189, %dma_start3A_190] : memref<2x128xi32, #tpu.memory_space<vmem>> -> memref<1x128xi32, #tpu.memory_space<vmem>>
        %dma_start3A_192 = tpu.memref_squeeze %dma_start3A_191 : memref<1x128xi32, #tpu.memory_space<vmem>> -> memref<128xi32, #tpu.memory_space<vmem>>
        %dma_start3A_193 = arith.constant 0 : i32
        %dma_start3A_194 = arith.constant 0 : i32
        %dma_start3A_195 = tpu.memref_slice %arg17[%dma_start3A_193, %dma_start3A_194] : memref<1024x128xf32, #tpu.memory_space<vmem_shared>> -> memref<1024x128xf32, #tpu.memory_space<vmem_shared>>
        tpu.enqueue_indirect_dma source(%arg10 : memref<128x128xf32, #tpu.memory_space<vmem>>) target(%dma_start3A_195 : memref<1024x128xf32, #tpu.memory_space<vmem_shared>>) offsets(%dma_start3A_192 : memref<128xi32, #tpu.memory_space<vmem>>) semaphore(%arg22 : memref<!tpu.dma_semaphore, #tpu.memory_space<semaphore_mem>>) {add = true}
      } else {
      }
      %mul3A_117 = arith.constant 2 : i32
      %mul3A_118 = arith.muli %while3A_108, %mul3A_117 : i32
      %add3A_119 = arith.constant 1 : i32
      %add3A_120 = arith.addi %mul3A_118, %add3A_119 : i32
      %lt3A_121 = arith.cmpi slt, %add3A_120, %select_n3A : i32
      %convert_element_type3A_122 = arith.extui %lt3A_121 : i1 to i32
      %cond3A_123 = arith.constant 0 : i32
      %cond3A_124 = arith.cmpi ne, %convert_element_type3A_122, %cond3A_123 : i32
      scf.if %cond3A_124 {
        %ge3A_126 = arith.constant 1 : i32
        %ge3A_127 = arith.cmpi sge, %add3A_120, %ge3A_126 : i32
        %convert_element_type3A_128 = arith.extui %ge3A_127 : i1 to i32
        %cond3A_129 = arith.constant 0 : i32
        %cond3A_130 = arith.cmpi ne, %convert_element_type3A_128, %cond3A_129 : i32
        scf.if %cond3A_130 {
          %dma_wait3A_196 = arith.constant 0 : i32
          %dma_wait3A_197 = arith.constant 0 : i32
          %dma_wait3A_198 = arith.constant 0 : i32
          %dma_wait3A_199 = tpu.memref_slice %arg6[%dma_wait3A_197, %dma_wait3A_198] : memref<256x128xf32, #tpu.memory_space<vmem>> -> memref<128x128xf32, #tpu.memory_space<vmem>>
          %dma_wait3A_200 = arith.constant 0 : i32
          %dma_wait3A_201 = tpu.memref_slice %arg8[%dma_wait3A_196, %dma_wait3A_200] : memref<2x128xi32, #tpu.memory_space<vmem>> -> memref<1x128xi32, #tpu.memory_space<vmem>>
          %dma_wait3A_202 = tpu.memref_squeeze %dma_wait3A_201 : memref<1x128xi32, #tpu.memory_space<vmem>> -> memref<128xi32, #tpu.memory_space<vmem>>
          %dma_wait3A_203 = arith.constant 0 : i32
          %dma_wait3A_204 = arith.constant 0 : i32
          %dma_wait3A_205 = tpu.memref_slice %arg16[%dma_wait3A_203, %dma_wait3A_204] : memref<1024x128xf32, #tpu.memory_space<vmem_shared>> -> memref<1024x128xf32, #tpu.memory_space<vmem_shared>>
          tpu.wait_indirect_dma semaphore(%arg22 : memref<!tpu.dma_semaphore, #tpu.memory_space<semaphore_mem>>) src(%dma_wait3A_199 : memref<128x128xf32, #tpu.memory_space<vmem>>) dst(%dma_wait3A_205 : memref<1024x128xf32, #tpu.memory_space<vmem_shared>>)
          %dma_wait3A_206 = arith.constant 0 : i32
          %dma_wait3A_207 = arith.constant 0 : i32
          %dma_wait3A_208 = tpu.memref_slice %arg8[%dma_wait3A_206, %dma_wait3A_207] : memref<2x128xi32, #tpu.memory_space<vmem>> -> memref<1x128xi32, #tpu.memory_space<vmem>>
          %dma_wait3A_209 = tpu.memref_squeeze %dma_wait3A_208 : memref<1x128xi32, #tpu.memory_space<vmem>> -> memref<128xi32, #tpu.memory_space<vmem>>
          %dma_wait3A_210 = arith.constant 0 : i32
          %dma_wait3A_211 = arith.constant 0 : i32
          %dma_wait3A_212 = tpu.memref_slice %arg17[%dma_wait3A_210, %dma_wait3A_211] : memref<1024x128xf32, #tpu.memory_space<vmem_shared>> -> memref<1024x128xf32, #tpu.memory_space<vmem_shared>>
          tpu.wait_indirect_dma semaphore(%arg22 : memref<!tpu.dma_semaphore, #tpu.memory_space<semaphore_mem>>) src(%arg10 : memref<128x128xf32, #tpu.memory_space<vmem>>) dst(%dma_wait3A_212 : memref<1024x128xf32, #tpu.memory_space<vmem_shared>>)
          %dma_wait3A_213 = arith.constant 1 : i32
          %dma_wait3A_214 = arith.constant 128 : i32
          %dma_wait3A_215 = arith.constant 0 : i32
          %dma_wait3A_216 = tpu.memref_slice %arg6[%dma_wait3A_214, %dma_wait3A_215] : memref<256x128xf32, #tpu.memory_space<vmem>> -> memref<128x128xf32, #tpu.memory_space<vmem>>
          %dma_wait3A_217 = arith.constant 0 : i32
          %dma_wait3A_218 = tpu.memref_slice %arg8[%dma_wait3A_213, %dma_wait3A_217] : memref<2x128xi32, #tpu.memory_space<vmem>> -> memref<1x128xi32, #tpu.memory_space<vmem>>
          %dma_wait3A_219 = tpu.memref_squeeze %dma_wait3A_218 : memref<1x128xi32, #tpu.memory_space<vmem>> -> memref<128xi32, #tpu.memory_space<vmem>>
          %dma_wait3A_220 = arith.constant 0 : i32
          %dma_wait3A_221 = arith.constant 0 : i32
          %dma_wait3A_222 = tpu.memref_slice %arg16[%dma_wait3A_220, %dma_wait3A_221] : memref<1024x128xf32, #tpu.memory_space<vmem_shared>> -> memref<1024x128xf32, #tpu.memory_space<vmem_shared>>
          tpu.wait_indirect_dma semaphore(%arg22 : memref<!tpu.dma_semaphore, #tpu.memory_space<semaphore_mem>>) src(%dma_wait3A_216 : memref<128x128xf32, #tpu.memory_space<vmem>>) dst(%dma_wait3A_222 : memref<1024x128xf32, #tpu.memory_space<vmem_shared>>)
          %dma_wait3A_223 = arith.constant 1 : i32
          %dma_wait3A_224 = arith.constant 0 : i32
          %dma_wait3A_225 = tpu.memref_slice %arg8[%dma_wait3A_223, %dma_wait3A_224] : memref<2x128xi32, #tpu.memory_space<vmem>> -> memref<1x128xi32, #tpu.memory_space<vmem>>
          %dma_wait3A_226 = tpu.memref_squeeze %dma_wait3A_225 : memref<1x128xi32, #tpu.memory_space<vmem>> -> memref<128xi32, #tpu.memory_space<vmem>>
          %dma_wait3A_227 = arith.constant 0 : i32
          %dma_wait3A_228 = arith.constant 0 : i32
          %dma_wait3A_229 = tpu.memref_slice %arg17[%dma_wait3A_227, %dma_wait3A_228] : memref<1024x128xf32, #tpu.memory_space<vmem_shared>> -> memref<1024x128xf32, #tpu.memory_space<vmem_shared>>
          tpu.wait_indirect_dma semaphore(%arg22 : memref<!tpu.dma_semaphore, #tpu.memory_space<semaphore_mem>>) src(%arg10 : memref<128x128xf32, #tpu.memory_space<vmem>>) dst(%dma_wait3A_229 : memref<1024x128xf32, #tpu.memory_space<vmem_shared>>)
        } else {
        }
        %add3A_131 = arith.constant 1 : i32
        %add3A_132 = arith.addi %add3A_120, %add3A_131 : i32
        %lt3A_133 = arith.cmpi slt, %add3A_132, %select_n3A : i32
        %convert_element_type3A_134 = arith.extui %lt3A_133 : i1 to i32
        %cond3A_135 = arith.constant 0 : i32
        %cond3A_136 = arith.cmpi ne, %convert_element_type3A_134, %cond3A_135 : i32
        scf.if %cond3A_136 {
          %add3A_196 = arith.constant 1 : i32
          %add3A_197 = arith.addi %add3A_120, %add3A_196 : i32
          %mul3A_198 = arith.constant 32 : i32
          %mul3A_199 = arith.muli %add3A_197, %mul3A_198 : i32
          %add3A_200 = arith.addi %add3A, %mul3A_199 : i32
          %mul3A_201 = arith.constant 256 : i32
          %mul3A_202 = arith.muli %add3A_200, %mul3A_201 : i32
          %dma_start3A_203 = arith.constant 0 : i32
          %dma_start3A_204 = tpu.memref_slice %arg2[%mul3A_202, %dma_start3A_203] : memref<100000x128xf32, #tpu.memory_space<hbm>> -> memref<256x128xf32, #tpu.memory_space<hbm>>
          %dma_start3A_205 = arith.constant 0 : i32
          %dma_start3A_206 = tpu.memref_slice %arg2[%mul3A_202, %dma_start3A_205] : memref<100000x128xf32, #tpu.memory_space<hbm>> -> memref<256x128xf32, #tpu.memory_space<hbm>>
          tpu.enqueue_dma source(%dma_start3A_206 : memref<256x128xf32, #tpu.memory_space<hbm>>) target(%arg6 : memref<256x128xf32, #tpu.memory_space<vmem>>) target_semaphore(%arg18 : memref<!tpu.dma_semaphore, #tpu.memory_space<semaphore_mem>>)
          %dma_start3A_207 = arith.constant 0 : i32
          %dma_start3A_208 = arith.constant 0 : i32
          %dma_start3A_209 = tpu.memref_slice %arg8[%dma_start3A_207, %dma_start3A_208] : memref<2x128xi32, #tpu.memory_space<vmem>> -> memref<1x128xi32, #tpu.memory_space<vmem>>
          %dma_start3A_210 = tpu.memref_squeeze %dma_start3A_209 : memref<1x128xi32, #tpu.memory_space<vmem>> -> memref<128xi32, #tpu.memory_space<vmem>>
          %dma_start3A_211 = tpu.memref_slice %arg3[%mul3A_202] : memref<100000xi32, #tpu.memory_space<hbm>> -> memref<128xi32, #tpu.memory_space<hbm>>
          %dma_start3A_212 = arith.constant 0 : i32
          %dma_start3A_213 = tpu.memref_slice %arg8[%dma_start3A_207, %dma_start3A_212] : memref<2x128xi32, #tpu.memory_space<vmem>> -> memref<1x128xi32, #tpu.memory_space<vmem>>
          %dma_start3A_214 = tpu.memref_squeeze %dma_start3A_213 : memref<1x128xi32, #tpu.memory_space<vmem>> -> memref<128xi32, #tpu.memory_space<vmem>>
          %dma_start3A_215 = tpu.memref_slice %arg3[%mul3A_202] : memref<100000xi32, #tpu.memory_space<hbm>> -> memref<128xi32, #tpu.memory_space<hbm>>
          tpu.enqueue_dma source(%dma_start3A_215 : memref<128xi32, #tpu.memory_space<hbm>>) target(%dma_start3A_214 : memref<128xi32, #tpu.memory_space<vmem>>) target_semaphore(%arg20 : memref<!tpu.dma_semaphore, #tpu.memory_space<semaphore_mem>>)
          %add3A_216 = arith.constant 128 : i32
          %add3A_217 = arith.addi %mul3A_202, %add3A_216 : i32
          %dma_start3A_218 = arith.constant 1 : i32
          %dma_start3A_219 = arith.constant 0 : i32
          %dma_start3A_220 = tpu.memref_slice %arg8[%dma_start3A_218, %dma_start3A_219] : memref<2x128xi32, #tpu.memory_space<vmem>> -> memref<1x128xi32, #tpu.memory_space<vmem>>
          %dma_start3A_221 = tpu.memref_squeeze %dma_start3A_220 : memref<1x128xi32, #tpu.memory_space<vmem>> -> memref<128xi32, #tpu.memory_space<vmem>>
          %dma_start3A_222 = tpu.memref_slice %arg3[%add3A_217] : memref<100000xi32, #tpu.memory_space<hbm>> -> memref<128xi32, #tpu.memory_space<hbm>>
          %dma_start3A_223 = arith.constant 0 : i32
          %dma_start3A_224 = tpu.memref_slice %arg8[%dma_start3A_218, %dma_start3A_223] : memref<2x128xi32, #tpu.memory_space<vmem>> -> memref<1x128xi32, #tpu.memory_space<vmem>>
          %dma_start3A_225 = tpu.memref_squeeze %dma_start3A_224 : memref<1x128xi32, #tpu.memory_space<vmem>> -> memref<128xi32, #tpu.memory_space<vmem>>
          %dma_start3A_226 = tpu.memref_slice %arg3[%add3A_217] : memref<100000xi32, #tpu.memory_space<hbm>> -> memref<128xi32, #tpu.memory_space<hbm>>
          tpu.enqueue_dma source(%dma_start3A_226 : memref<128xi32, #tpu.memory_space<hbm>>) target(%dma_start3A_225 : memref<128xi32, #tpu.memory_space<vmem>>) target_semaphore(%arg20 : memref<!tpu.dma_semaphore, #tpu.memory_space<semaphore_mem>>)
        } else {
        }
        %mul3A_137 = arith.constant 32 : i32
        %mul3A_138 = arith.muli %add3A_120, %mul3A_137 : i32
        %add3A_139 = arith.addi %add3A, %mul3A_138 : i32
        %mul3A_140 = arith.constant 256 : i32
        %mul3A_141 = arith.muli %add3A_139, %mul3A_140 : i32
        %dma_wait3A = arith.constant 0 : i32
        %dma_wait3A_142 = tpu.memref_slice %arg2[%mul3A_141, %dma_wait3A] : memref<100000x128xf32, #tpu.memory_space<hbm>> -> memref<256x128xf32, #tpu.memory_space<hbm>>
        %dma_wait3A_143 = arith.constant 0 : i32
        %dma_wait3A_144 = tpu.memref_slice %arg2[%mul3A_141, %dma_wait3A_143] : memref<100000x128xf32, #tpu.memory_space<hbm>> -> memref<256x128xf32, #tpu.memory_space<hbm>>
        tpu.wait_dma2 semaphore(%arg19 : memref<!tpu.dma_semaphore, #tpu.memory_space<semaphore_mem>>) src(%dma_wait3A_144 : memref<256x128xf32, #tpu.memory_space<hbm>>) dst(%arg7 : memref<256x128xf32, #tpu.memory_space<vmem>>)
        %dma_wait3A_145 = arith.constant 0 : i32
        %dma_wait3A_146 = arith.constant 0 : i32
        %dma_wait3A_147 = tpu.memref_slice %arg9[%dma_wait3A_145, %dma_wait3A_146] : memref<2x128xi32, #tpu.memory_space<vmem>> -> memref<1x128xi32, #tpu.memory_space<vmem>>
        %dma_wait3A_148 = tpu.memref_squeeze %dma_wait3A_147 : memref<1x128xi32, #tpu.memory_space<vmem>> -> memref<128xi32, #tpu.memory_space<vmem>>
        %dma_wait3A_149 = tpu.memref_slice %arg3[%mul3A_141] : memref<100000xi32, #tpu.memory_space<hbm>> -> memref<128xi32, #tpu.memory_space<hbm>>
        %dma_wait3A_150 = arith.constant 0 : i32
        %dma_wait3A_151 = tpu.memref_slice %arg9[%dma_wait3A_145, %dma_wait3A_150] : memref<2x128xi32, #tpu.memory_space<vmem>> -> memref<1x128xi32, #tpu.memory_space<vmem>>
        %dma_wait3A_152 = tpu.memref_squeeze %dma_wait3A_151 : memref<1x128xi32, #tpu.memory_space<vmem>> -> memref<128xi32, #tpu.memory_space<vmem>>
        %dma_wait3A_153 = tpu.memref_slice %arg3[%mul3A_141] : memref<100000xi32, #tpu.memory_space<hbm>> -> memref<128xi32, #tpu.memory_space<hbm>>
        tpu.wait_dma2 semaphore(%arg21 : memref<!tpu.dma_semaphore, #tpu.memory_space<semaphore_mem>>) src(%dma_wait3A_153 : memref<128xi32, #tpu.memory_space<hbm>>) dst(%dma_wait3A_152 : memref<128xi32, #tpu.memory_space<vmem>>)
        %dma_wait3A_154 = arith.constant 1 : i32
        %dma_wait3A_155 = arith.constant 0 : i32
        %dma_wait3A_156 = tpu.memref_slice %arg9[%dma_wait3A_154, %dma_wait3A_155] : memref<2x128xi32, #tpu.memory_space<vmem>> -> memref<1x128xi32, #tpu.memory_space<vmem>>
        %dma_wait3A_157 = tpu.memref_squeeze %dma_wait3A_156 : memref<1x128xi32, #tpu.memory_space<vmem>> -> memref<128xi32, #tpu.memory_space<vmem>>
        %dma_wait3A_158 = tpu.memref_slice %arg3[%mul3A_141] : memref<100000xi32, #tpu.memory_space<hbm>> -> memref<128xi32, #tpu.memory_space<hbm>>
        %dma_wait3A_159 = arith.constant 0 : i32
        %dma_wait3A_160 = tpu.memref_slice %arg9[%dma_wait3A_154, %dma_wait3A_159] : memref<2x128xi32, #tpu.memory_space<vmem>> -> memref<1x128xi32, #tpu.memory_space<vmem>>
        %dma_wait3A_161 = tpu.memref_squeeze %dma_wait3A_160 : memref<1x128xi32, #tpu.memory_space<vmem>> -> memref<128xi32, #tpu.memory_space<vmem>>
        %dma_wait3A_162 = tpu.memref_slice %arg3[%mul3A_141] : memref<100000xi32, #tpu.memory_space<hbm>> -> memref<128xi32, #tpu.memory_space<hbm>>
        tpu.wait_dma2 semaphore(%arg21 : memref<!tpu.dma_semaphore, #tpu.memory_space<semaphore_mem>>) src(%dma_wait3A_162 : memref<128xi32, #tpu.memory_space<hbm>>) dst(%dma_wait3A_161 : memref<128xi32, #tpu.memory_space<vmem>>)
        %dma_start3A = arith.constant 0 : i32
        %dma_start3A_163 = arith.constant 0 : i32
        %dma_start3A_164 = arith.constant 0 : i32
        %dma_start3A_165 = tpu.memref_slice %arg7[%dma_start3A_163, %dma_start3A_164] : memref<256x128xf32, #tpu.memory_space<vmem>> -> memref<128x128xf32, #tpu.memory_space<vmem>>
        %dma_start3A_166 = arith.constant 0 : i32
        %dma_start3A_167 = tpu.memref_slice %arg9[%dma_start3A, %dma_start3A_166] : memref<2x128xi32, #tpu.memory_space<vmem>> -> memref<1x128xi32, #tpu.memory_space<vmem>>
        %dma_start3A_168 = tpu.memref_squeeze %dma_start3A_167 : memref<1x128xi32, #tpu.memory_space<vmem>> -> memref<128xi32, #tpu.memory_space<vmem>>
        %dma_start3A_169 = arith.constant 0 : i32
        %dma_start3A_170 = arith.constant 0 : i32
        %dma_start3A_171 = tpu.memref_slice %arg16[%dma_start3A_169, %dma_start3A_170] : memref<1024x128xf32, #tpu.memory_space<vmem_shared>> -> memref<1024x128xf32, #tpu.memory_space<vmem_shared>>
        tpu.enqueue_indirect_dma source(%dma_start3A_165 : memref<128x128xf32, #tpu.memory_space<vmem>>) target(%dma_start3A_171 : memref<1024x128xf32, #tpu.memory_space<vmem_shared>>) offsets(%dma_start3A_168 : memref<128xi32, #tpu.memory_space<vmem>>) semaphore(%arg23 : memref<!tpu.dma_semaphore, #tpu.memory_space<semaphore_mem>>) {add = true}
        %dma_start3A_172 = arith.constant 0 : i32
        %dma_start3A_173 = arith.constant 0 : i32
        %dma_start3A_174 = tpu.memref_slice %arg9[%dma_start3A_172, %dma_start3A_173] : memref<2x128xi32, #tpu.memory_space<vmem>> -> memref<1x128xi32, #tpu.memory_space<vmem>>
        %dma_start3A_175 = tpu.memref_squeeze %dma_start3A_174 : memref<1x128xi32, #tpu.memory_space<vmem>> -> memref<128xi32, #tpu.memory_space<vmem>>
        %dma_start3A_176 = arith.constant 0 : i32
        %dma_start3A_177 = arith.constant 0 : i32
        %dma_start3A_178 = tpu.memref_slice %arg17[%dma_start3A_176, %dma_start3A_177] : memref<1024x128xf32, #tpu.memory_space<vmem_shared>> -> memref<1024x128xf32, #tpu.memory_space<vmem_shared>>
        tpu.enqueue_indirect_dma source(%arg10 : memref<128x128xf32, #tpu.memory_space<vmem>>) target(%dma_start3A_178 : memref<1024x128xf32, #tpu.memory_space<vmem_shared>>) offsets(%dma_start3A_175 : memref<128xi32, #tpu.memory_space<vmem>>) semaphore(%arg23 : memref<!tpu.dma_semaphore, #tpu.memory_space<semaphore_mem>>) {add = true}
        %dma_start3A_179 = arith.constant 1 : i32
        %dma_start3A_180 = arith.constant 128 : i32
        %dma_start3A_181 = arith.constant 0 : i32
        %dma_start3A_182 = tpu.memref_slice %arg7[%dma_start3A_180, %dma_start3A_181] : memref<256x128xf32, #tpu.memory_space<vmem>> -> memref<128x128xf32, #tpu.memory_space<vmem>>
        %dma_start3A_183 = arith.constant 0 : i32
        %dma_start3A_184 = tpu.memref_slice %arg9[%dma_start3A_179, %dma_start3A_183] : memref<2x128xi32, #tpu.memory_space<vmem>> -> memref<1x128xi32, #tpu.memory_space<vmem>>
        %dma_start3A_185 = tpu.memref_squeeze %dma_start3A_184 : memref<1x128xi32, #tpu.memory_space<vmem>> -> memref<128xi32, #tpu.memory_space<vmem>>
        %dma_start3A_186 = arith.constant 0 : i32
        %dma_start3A_187 = arith.constant 0 : i32
        %dma_start3A_188 = tpu.memref_slice %arg16[%dma_start3A_186, %dma_start3A_187] : memref<1024x128xf32, #tpu.memory_space<vmem_shared>> -> memref<1024x128xf32, #tpu.memory_space<vmem_shared>>
        tpu.enqueue_indirect_dma source(%dma_start3A_182 : memref<128x128xf32, #tpu.memory_space<vmem>>) target(%dma_start3A_188 : memref<1024x128xf32, #tpu.memory_space<vmem_shared>>) offsets(%dma_start3A_185 : memref<128xi32, #tpu.memory_space<vmem>>) semaphore(%arg23 : memref<!tpu.dma_semaphore, #tpu.memory_space<semaphore_mem>>) {add = true}
        %dma_start3A_189 = arith.constant 1 : i32
        %dma_start3A_190 = arith.constant 0 : i32
        %dma_start3A_191 = tpu.memref_slice %arg9[%dma_start3A_189, %dma_start3A_190] : memref<2x128xi32, #tpu.memory_space<vmem>> -> memref<1x128xi32, #tpu.memory_space<vmem>>
        %dma_start3A_192 = tpu.memref_squeeze %dma_start3A_191 : memref<1x128xi32, #tpu.memory_space<vmem>> -> memref<128xi32, #tpu.memory_space<vmem>>
        %dma_start3A_193 = arith.constant 0 : i32
        %dma_start3A_194 = arith.constant 0 : i32
        %dma_start3A_195 = tpu.memref_slice %arg17[%dma_start3A_193, %dma_start3A_194] : memref<1024x128xf32, #tpu.memory_space<vmem_shared>> -> memref<1024x128xf32, #tpu.memory_space<vmem_shared>>
        tpu.enqueue_indirect_dma source(%arg10 : memref<128x128xf32, #tpu.memory_space<vmem>>) target(%dma_start3A_195 : memref<1024x128xf32, #tpu.memory_space<vmem_shared>>) offsets(%dma_start3A_192 : memref<128xi32, #tpu.memory_space<vmem>>) semaphore(%arg23 : memref<!tpu.dma_semaphore, #tpu.memory_space<semaphore_mem>>) {add = true}
      } else {
      }
      %while3A_125 = arith.constant 0 : i32
      scf.yield %while3A_125 : i32
    }
    %ge3A = arith.constant 1 : i32
    %ge3A_72 = arith.cmpi sge, %select_n3A, %ge3A : i32
    %sub3A_73 = arith.constant 1 : i32
    %sub3A_74 = arith.subi %select_n3A, %sub3A_73 : i32
    %rem3A_75 = arith.constant 2 : i32
    %rem3A_76 = arith.remsi %sub3A_74, %rem3A_75 : i32
    %eq3A = arith.constant 0 : i32
    %eq3A_77 = arith.cmpi eq, %rem3A_76, %eq3A : i32
    %and3A_78 = arith.andi %ge3A_72, %eq3A_77 : i1
    %convert_element_type3A_79 = arith.extui %and3A_78 : i1 to i32
    %cond3A_80 = arith.constant 0 : i32
    %cond3A_81 = arith.cmpi ne, %convert_element_type3A_79, %cond3A_80 : i32
    scf.if %cond3A_81 {
      %dma_wait3A = arith.constant 0 : i32
      %dma_wait3A_108 = arith.constant 0 : i32
      %dma_wait3A_109 = arith.constant 0 : i32
      %dma_wait3A_110 = tpu.memref_slice %arg6[%dma_wait3A_108, %dma_wait3A_109] : memref<256x128xf32, #tpu.memory_space<vmem>> -> memref<128x128xf32, #tpu.memory_space<vmem>>
      %dma_wait3A_111 = arith.constant 0 : i32
      %dma_wait3A_112 = tpu.memref_slice %arg8[%dma_wait3A, %dma_wait3A_111] : memref<2x128xi32, #tpu.memory_space<vmem>> -> memref<1x128xi32, #tpu.memory_space<vmem>>
      %dma_wait3A_113 = tpu.memref_squeeze %dma_wait3A_112 : memref<1x128xi32, #tpu.memory_space<vmem>> -> memref<128xi32, #tpu.memory_space<vmem>>
      %dma_wait3A_114 = arith.constant 0 : i32
      %dma_wait3A_115 = arith.constant 0 : i32
      %dma_wait3A_116 = tpu.memref_slice %arg16[%dma_wait3A_114, %dma_wait3A_115] : memref<1024x128xf32, #tpu.memory_space<vmem_shared>> -> memref<1024x128xf32, #tpu.memory_space<vmem_shared>>
      tpu.wait_indirect_dma semaphore(%arg22 : memref<!tpu.dma_semaphore, #tpu.memory_space<semaphore_mem>>) src(%dma_wait3A_110 : memref<128x128xf32, #tpu.memory_space<vmem>>) dst(%dma_wait3A_116 : memref<1024x128xf32, #tpu.memory_space<vmem_shared>>)
      %dma_wait3A_117 = arith.constant 0 : i32
      %dma_wait3A_118 = arith.constant 0 : i32
      %dma_wait3A_119 = tpu.memref_slice %arg8[%dma_wait3A_117, %dma_wait3A_118] : memref<2x128xi32, #tpu.memory_space<vmem>> -> memref<1x128xi32, #tpu.memory_space<vmem>>
      %dma_wait3A_120 = tpu.memref_squeeze %dma_wait3A_119 : memref<1x128xi32, #tpu.memory_space<vmem>> -> memref<128xi32, #tpu.memory_space<vmem>>
      %dma_wait3A_121 = arith.constant 0 : i32
      %dma_wait3A_122 = arith.constant 0 : i32
      %dma_wait3A_123 = tpu.memref_slice %arg17[%dma_wait3A_121, %dma_wait3A_122] : memref<1024x128xf32, #tpu.memory_space<vmem_shared>> -> memref<1024x128xf32, #tpu.memory_space<vmem_shared>>
      tpu.wait_indirect_dma semaphore(%arg22 : memref<!tpu.dma_semaphore, #tpu.memory_space<semaphore_mem>>) src(%arg10 : memref<128x128xf32, #tpu.memory_space<vmem>>) dst(%dma_wait3A_123 : memref<1024x128xf32, #tpu.memory_space<vmem_shared>>)
      %dma_wait3A_124 = arith.constant 1 : i32
      %dma_wait3A_125 = arith.constant 128 : i32
      %dma_wait3A_126 = arith.constant 0 : i32
      %dma_wait3A_127 = tpu.memref_slice %arg6[%dma_wait3A_125, %dma_wait3A_126] : memref<256x128xf32, #tpu.memory_space<vmem>> -> memref<128x128xf32, #tpu.memory_space<vmem>>
      %dma_wait3A_128 = arith.constant 0 : i32
      %dma_wait3A_129 = tpu.memref_slice %arg8[%dma_wait3A_124, %dma_wait3A_128] : memref<2x128xi32, #tpu.memory_space<vmem>> -> memref<1x128xi32, #tpu.memory_space<vmem>>
      %dma_wait3A_130 = tpu.memref_squeeze %dma_wait3A_129 : memref<1x128xi32, #tpu.memory_space<vmem>> -> memref<128xi32, #tpu.memory_space<vmem>>
      %dma_wait3A_131 = arith.constant 0 : i32
      %dma_wait3A_132 = arith.constant 0 : i32
      %dma_wait3A_133 = tpu.memref_slice %arg16[%dma_wait3A_131, %dma_wait3A_132] : memref<1024x128xf32, #tpu.memory_space<vmem_shared>> -> memref<1024x128xf32, #tpu.memory_space<vmem_shared>>
      tpu.wait_indirect_dma semaphore(%arg22 : memref<!tpu.dma_semaphore, #tpu.memory_space<semaphore_mem>>) src(%dma_wait3A_127 : memref<128x128xf32, #tpu.memory_space<vmem>>) dst(%dma_wait3A_133 : memref<1024x128xf32, #tpu.memory_space<vmem_shared>>)
      %dma_wait3A_134 = arith.constant 1 : i32
      %dma_wait3A_135 = arith.constant 0 : i32
      %dma_wait3A_136 = tpu.memref_slice %arg8[%dma_wait3A_134, %dma_wait3A_135] : memref<2x128xi32, #tpu.memory_space<vmem>> -> memref<1x128xi32, #tpu.memory_space<vmem>>
      %dma_wait3A_137 = tpu.memref_squeeze %dma_wait3A_136 : memref<1x128xi32, #tpu.memory_space<vmem>> -> memref<128xi32, #tpu.memory_space<vmem>>
      %dma_wait3A_138 = arith.constant 0 : i32
      %dma_wait3A_139 = arith.constant 0 : i32
      %dma_wait3A_140 = tpu.memref_slice %arg17[%dma_wait3A_138, %dma_wait3A_139] : memref<1024x128xf32, #tpu.memory_space<vmem_shared>> -> memref<1024x128xf32, #tpu.memory_space<vmem_shared>>
      tpu.wait_indirect_dma semaphore(%arg22 : memref<!tpu.dma_semaphore, #tpu.memory_space<semaphore_mem>>) src(%arg10 : memref<128x128xf32, #tpu.memory_space<vmem>>) dst(%dma_wait3A_140 : memref<1024x128xf32, #tpu.memory_space<vmem_shared>>)
    } else {
    }
    %ge3A_82 = arith.constant 1 : i32
    %ge3A_83 = arith.cmpi sge, %select_n3A, %ge3A_82 : i32
    %sub3A_84 = arith.constant 1 : i32
    %sub3A_85 = arith.subi %select_n3A, %sub3A_84 : i32
    %rem3A_86 = arith.constant 2 : i32
    %rem3A_87 = arith.remsi %sub3A_85, %rem3A_86 : i32
    %eq3A_88 = arith.constant 1 : i32
    %eq3A_89 = arith.cmpi eq, %rem3A_87, %eq3A_88 : i32
    %and3A_90 = arith.andi %ge3A_83, %eq3A_89 : i1
    %convert_element_type3A_91 = arith.extui %and3A_90 : i1 to i32
    %cond3A_92 = arith.constant 0 : i32
    %cond3A_93 = arith.cmpi ne, %convert_element_type3A_91, %cond3A_92 : i32
    scf.if %cond3A_93 {
      %dma_wait3A = arith.constant 0 : i32
      %dma_wait3A_108 = arith.constant 0 : i32
      %dma_wait3A_109 = arith.constant 0 : i32
      %dma_wait3A_110 = tpu.memref_slice %arg7[%dma_wait3A_108, %dma_wait3A_109] : memref<256x128xf32, #tpu.memory_space<vmem>> -> memref<128x128xf32, #tpu.memory_space<vmem>>
      %dma_wait3A_111 = arith.constant 0 : i32
      %dma_wait3A_112 = tpu.memref_slice %arg9[%dma_wait3A, %dma_wait3A_111] : memref<2x128xi32, #tpu.memory_space<vmem>> -> memref<1x128xi32, #tpu.memory_space<vmem>>
      %dma_wait3A_113 = tpu.memref_squeeze %dma_wait3A_112 : memref<1x128xi32, #tpu.memory_space<vmem>> -> memref<128xi32, #tpu.memory_space<vmem>>
      %dma_wait3A_114 = arith.constant 0 : i32
      %dma_wait3A_115 = arith.constant 0 : i32
      %dma_wait3A_116 = tpu.memref_slice %arg16[%dma_wait3A_114, %dma_wait3A_115] : memref<1024x128xf32, #tpu.memory_space<vmem_shared>> -> memref<1024x128xf32, #tpu.memory_space<vmem_shared>>
      tpu.wait_indirect_dma semaphore(%arg23 : memref<!tpu.dma_semaphore, #tpu.memory_space<semaphore_mem>>) src(%dma_wait3A_110 : memref<128x128xf32, #tpu.memory_space<vmem>>) dst(%dma_wait3A_116 : memref<1024x128xf32, #tpu.memory_space<vmem_shared>>)
      %dma_wait3A_117 = arith.constant 0 : i32
      %dma_wait3A_118 = arith.constant 0 : i32
      %dma_wait3A_119 = tpu.memref_slice %arg9[%dma_wait3A_117, %dma_wait3A_118] : memref<2x128xi32, #tpu.memory_space<vmem>> -> memref<1x128xi32, #tpu.memory_space<vmem>>
      %dma_wait3A_120 = tpu.memref_squeeze %dma_wait3A_119 : memref<1x128xi32, #tpu.memory_space<vmem>> -> memref<128xi32, #tpu.memory_space<vmem>>
      %dma_wait3A_121 = arith.constant 0 : i32
      %dma_wait3A_122 = arith.constant 0 : i32
      %dma_wait3A_123 = tpu.memref_slice %arg17[%dma_wait3A_121, %dma_wait3A_122] : memref<1024x128xf32, #tpu.memory_space<vmem_shared>> -> memref<1024x128xf32, #tpu.memory_space<vmem_shared>>
      tpu.wait_indirect_dma semaphore(%arg23 : memref<!tpu.dma_semaphore, #tpu.memory_space<semaphore_mem>>) src(%arg10 : memref<128x128xf32, #tpu.memory_space<vmem>>) dst(%dma_wait3A_123 : memref<1024x128xf32, #tpu.memory_space<vmem_shared>>)
      %dma_wait3A_124 = arith.constant 1 : i32
      %dma_wait3A_125 = arith.constant 128 : i32
      %dma_wait3A_126 = arith.constant 0 : i32
      %dma_wait3A_127 = tpu.memref_slice %arg7[%dma_wait3A_125, %dma_wait3A_126] : memref<256x128xf32, #tpu.memory_space<vmem>> -> memref<128x128xf32, #tpu.memory_space<vmem>>
      %dma_wait3A_128 = arith.constant 0 : i32
      %dma_wait3A_129 = tpu.memref_slice %arg9[%dma_wait3A_124, %dma_wait3A_128] : memref<2x128xi32, #tpu.memory_space<vmem>> -> memref<1x128xi32, #tpu.memory_space<vmem>>
      %dma_wait3A_130 = tpu.memref_squeeze %dma_wait3A_129 : memref<1x128xi32, #tpu.memory_space<vmem>> -> memref<128xi32, #tpu.memory_space<vmem>>
      %dma_wait3A_131 = arith.constant 0 : i32
      %dma_wait3A_132 = arith.constant 0 : i32
      %dma_wait3A_133 = tpu.memref_slice %arg16[%dma_wait3A_131, %dma_wait3A_132] : memref<1024x128xf32, #tpu.memory_space<vmem_shared>> -> memref<1024x128xf32, #tpu.memory_space<vmem_shared>>
      tpu.wait_indirect_dma semaphore(%arg23 : memref<!tpu.dma_semaphore, #tpu.memory_space<semaphore_mem>>) src(%dma_wait3A_127 : memref<128x128xf32, #tpu.memory_space<vmem>>) dst(%dma_wait3A_133 : memref<1024x128xf32, #tpu.memory_space<vmem_shared>>)
      %dma_wait3A_134 = arith.constant 1 : i32
      %dma_wait3A_135 = arith.constant 0 : i32
      %dma_wait3A_136 = tpu.memref_slice %arg9[%dma_wait3A_134, %dma_wait3A_135] : memref<2x128xi32, #tpu.memory_space<vmem>> -> memref<1x128xi32, #tpu.memory_space<vmem>>
      %dma_wait3A_137 = tpu.memref_squeeze %dma_wait3A_136 : memref<1x128xi32, #tpu.memory_space<vmem>> -> memref<128xi32, #tpu.memory_space<vmem>>
      %dma_wait3A_138 = arith.constant 0 : i32
      %dma_wait3A_139 = arith.constant 0 : i32
      %dma_wait3A_140 = tpu.memref_slice %arg17[%dma_wait3A_138, %dma_wait3A_139] : memref<1024x128xf32, #tpu.memory_space<vmem_shared>> -> memref<1024x128xf32, #tpu.memory_space<vmem_shared>>
      tpu.wait_indirect_dma semaphore(%arg23 : memref<!tpu.dma_semaphore, #tpu.memory_space<semaphore_mem>>) src(%arg10 : memref<128x128xf32, #tpu.memory_space<vmem>>) dst(%dma_wait3A_140 : memref<1024x128xf32, #tpu.memory_space<vmem_shared>>)
    } else {
    }
    %eq3A_94 = arith.constant 31 : i32
    %eq3A_95 = arith.cmpi eq, %add3A, %eq3A_94 : i32
    %convert_element_type3A_96 = arith.extui %eq3A_95 : i1 to i32
    %cond3A_97 = arith.constant 0 : i32
    %cond3A_98 = arith.cmpi ne, %convert_element_type3A_96, %cond3A_97 : i32
    scf.if %cond3A_98 {
      %run_scoped3A = arith.constant 0 : i32
      "tpu.region"() ({
        %run_scoped3A_113 = tpu.sem_alloc : memref<!tpu.dma_semaphore, #tpu.memory_space<semaphore_mem>>
        %dma_start3A = arith.constant 0 : i32
        %dma_start3A_114 = tpu.memref_slice %arg14[%run_scoped3A, %dma_start3A] : memref<1x128xi32, #tpu.memory_space<vmem>> -> memref<1x128xi32, #tpu.memory_space<vmem>>
        %dma_start3A_115 = tpu.memref_squeeze %dma_start3A_114 : memref<1x128xi32, #tpu.memory_space<vmem>> -> memref<128xi32, #tpu.memory_space<vmem>>
        %dma_start3A_116 = arith.constant 99840 : i32
        %dma_start3A_117 = tpu.memref_slice %arg3[%dma_start3A_116] : memref<100000xi32, #tpu.memory_space<hbm>> -> memref<128xi32, #tpu.memory_space<hbm>>
        %dma_start3A_118 = arith.constant 0 : i32
        %dma_start3A_119 = tpu.memref_slice %arg14[%run_scoped3A, %dma_start3A_118] : memref<1x128xi32, #tpu.memory_space<vmem>> -> memref<1x128xi32, #tpu.memory_space<vmem>>
        %dma_start3A_120 = tpu.memref_squeeze %dma_start3A_119 : memref<1x128xi32, #tpu.memory_space<vmem>> -> memref<128xi32, #tpu.memory_space<vmem>>
        %dma_start3A_121 = arith.constant 99840 : i32
        %dma_start3A_122 = tpu.memref_slice %arg3[%dma_start3A_121] : memref<100000xi32, #tpu.memory_space<hbm>> -> memref<128xi32, #tpu.memory_space<hbm>>
        tpu.enqueue_dma source(%dma_start3A_122 : memref<128xi32, #tpu.memory_space<hbm>>) target(%dma_start3A_120 : memref<128xi32, #tpu.memory_space<vmem>>) target_semaphore(%run_scoped3A_113 : memref<!tpu.dma_semaphore, #tpu.memory_space<semaphore_mem>>)
        %dma_wait3A = arith.constant 0 : i32
        %dma_wait3A_123 = tpu.memref_slice %arg14[%run_scoped3A, %dma_wait3A] : memref<1x128xi32, #tpu.memory_space<vmem>> -> memref<1x128xi32, #tpu.memory_space<vmem>>
        %dma_wait3A_124 = tpu.memref_squeeze %dma_wait3A_123 : memref<1x128xi32, #tpu.memory_space<vmem>> -> memref<128xi32, #tpu.memory_space<vmem>>
        %dma_wait3A_125 = arith.constant 99840 : i32
        %dma_wait3A_126 = tpu.memref_slice %arg3[%dma_wait3A_125] : memref<100000xi32, #tpu.memory_space<hbm>> -> memref<128xi32, #tpu.memory_space<hbm>>
        %dma_wait3A_127 = arith.constant 0 : i32
        %dma_wait3A_128 = tpu.memref_slice %arg14[%run_scoped3A, %dma_wait3A_127] : memref<1x128xi32, #tpu.memory_space<vmem>> -> memref<1x128xi32, #tpu.memory_space<vmem>>
        %dma_wait3A_129 = tpu.memref_squeeze %dma_wait3A_128 : memref<1x128xi32, #tpu.memory_space<vmem>> -> memref<128xi32, #tpu.memory_space<vmem>>
        %dma_wait3A_130 = arith.constant 99840 : i32
        %dma_wait3A_131 = tpu.memref_slice %arg3[%dma_wait3A_130] : memref<100000xi32, #tpu.memory_space<hbm>> -> memref<128xi32, #tpu.memory_space<hbm>>
        tpu.wait_dma2 semaphore(%run_scoped3A_113 : memref<!tpu.dma_semaphore, #tpu.memory_space<semaphore_mem>>) src(%dma_wait3A_131 : memref<128xi32, #tpu.memory_space<hbm>>) dst(%dma_wait3A_129 : memref<128xi32, #tpu.memory_space<vmem>>)
        tpu.yield
      }) : () -> ()
      "tpu.region"() ({
        %run_scoped3A_113 = tpu.sem_alloc : memref<!tpu.dma_semaphore, #tpu.memory_space<semaphore_mem>>
        %dma_start3A = arith.constant 99840 : i32
        %dma_start3A_114 = arith.constant 0 : i32
        %dma_start3A_115 = tpu.memref_slice %arg2[%dma_start3A, %dma_start3A_114] : memref<100000x128xf32, #tpu.memory_space<hbm>> -> memref<128x128xf32, #tpu.memory_space<hbm>>
        %dma_start3A_116 = arith.constant 99840 : i32
        %dma_start3A_117 = arith.constant 0 : i32
        %dma_start3A_118 = tpu.memref_slice %arg2[%dma_start3A_116, %dma_start3A_117] : memref<100000x128xf32, #tpu.memory_space<hbm>> -> memref<128x128xf32, #tpu.memory_space<hbm>>
        tpu.enqueue_dma source(%dma_start3A_118 : memref<128x128xf32, #tpu.memory_space<hbm>>) target(%arg12 : memref<128x128xf32, #tpu.memory_space<vmem>>) target_semaphore(%run_scoped3A_113 : memref<!tpu.dma_semaphore, #tpu.memory_space<semaphore_mem>>)
        %dma_wait3A = arith.constant 99840 : i32
        %dma_wait3A_119 = arith.constant 0 : i32
        %dma_wait3A_120 = tpu.memref_slice %arg2[%dma_wait3A, %dma_wait3A_119] : memref<100000x128xf32, #tpu.memory_space<hbm>> -> memref<128x128xf32, #tpu.memory_space<hbm>>
        %dma_wait3A_121 = arith.constant 99840 : i32
        %dma_wait3A_122 = arith.constant 0 : i32
        %dma_wait3A_123 = tpu.memref_slice %arg2[%dma_wait3A_121, %dma_wait3A_122] : memref<100000x128xf32, #tpu.memory_space<hbm>> -> memref<128x128xf32, #tpu.memory_space<hbm>>
        tpu.wait_dma2 semaphore(%run_scoped3A_113 : memref<!tpu.dma_semaphore, #tpu.memory_space<semaphore_mem>>) src(%dma_wait3A_123 : memref<128x128xf32, #tpu.memory_space<hbm>>) dst(%arg12 : memref<128x128xf32, #tpu.memory_space<vmem>>)
        tpu.yield
      }) : () -> ()
      %run_scoped3A_108 = arith.constant 0 : i32
      "tpu.region"() ({
        %run_scoped3A_113 = tpu.sem_alloc : memref<!tpu.dma_semaphore, #tpu.memory_space<semaphore_mem>>
        %dma_start3A = arith.constant 0 : i32
        %dma_start3A_114 = tpu.memref_slice %arg14[%run_scoped3A_108, %dma_start3A] : memref<1x128xi32, #tpu.memory_space<vmem>> -> memref<1x128xi32, #tpu.memory_space<vmem>>
        %dma_start3A_115 = tpu.memref_squeeze %dma_start3A_114 : memref<1x128xi32, #tpu.memory_space<vmem>> -> memref<128xi32, #tpu.memory_space<vmem>>
        %dma_start3A_116 = arith.constant 0 : i32
        %dma_start3A_117 = arith.constant 0 : i32
        %dma_start3A_118 = tpu.memref_slice %arg16[%dma_start3A_116, %dma_start3A_117] : memref<1024x128xf32, #tpu.memory_space<vmem_shared>> -> memref<1024x128xf32, #tpu.memory_space<vmem_shared>>
        tpu.enqueue_indirect_dma source(%arg12 : memref<128x128xf32, #tpu.memory_space<vmem>>) target(%dma_start3A_118 : memref<1024x128xf32, #tpu.memory_space<vmem_shared>>) offsets(%dma_start3A_115 : memref<128xi32, #tpu.memory_space<vmem>>) semaphore(%run_scoped3A_113 : memref<!tpu.dma_semaphore, #tpu.memory_space<semaphore_mem>>) {add = true}
        %dma_wait3A = arith.constant 0 : i32
        %dma_wait3A_119 = tpu.memref_slice %arg14[%run_scoped3A_108, %dma_wait3A] : memref<1x128xi32, #tpu.memory_space<vmem>> -> memref<1x128xi32, #tpu.memory_space<vmem>>
        %dma_wait3A_120 = tpu.memref_squeeze %dma_wait3A_119 : memref<1x128xi32, #tpu.memory_space<vmem>> -> memref<128xi32, #tpu.memory_space<vmem>>
        %dma_wait3A_121 = arith.constant 0 : i32
        %dma_wait3A_122 = arith.constant 0 : i32
        %dma_wait3A_123 = tpu.memref_slice %arg16[%dma_wait3A_121, %dma_wait3A_122] : memref<1024x128xf32, #tpu.memory_space<vmem_shared>> -> memref<1024x128xf32, #tpu.memory_space<vmem_shared>>
        tpu.wait_indirect_dma semaphore(%run_scoped3A_113 : memref<!tpu.dma_semaphore, #tpu.memory_space<semaphore_mem>>) src(%arg12 : memref<128x128xf32, #tpu.memory_space<vmem>>) dst(%dma_wait3A_123 : memref<1024x128xf32, #tpu.memory_space<vmem_shared>>)
        tpu.yield
      }) : () -> ()
      %run_scoped3A_109 = arith.constant 0 : i32
      "tpu.region"() ({
        %run_scoped3A_113 = tpu.sem_alloc : memref<!tpu.dma_semaphore, #tpu.memory_space<semaphore_mem>>
        %dma_start3A = arith.constant 0 : i32
        %dma_start3A_114 = tpu.memref_slice %arg14[%run_scoped3A_109, %dma_start3A] : memref<1x128xi32, #tpu.memory_space<vmem>> -> memref<1x128xi32, #tpu.memory_space<vmem>>
        %dma_start3A_115 = tpu.memref_squeeze %dma_start3A_114 : memref<1x128xi32, #tpu.memory_space<vmem>> -> memref<128xi32, #tpu.memory_space<vmem>>
        %dma_start3A_116 = arith.constant 0 : i32
        %dma_start3A_117 = arith.constant 0 : i32
        %dma_start3A_118 = tpu.memref_slice %arg17[%dma_start3A_116, %dma_start3A_117] : memref<1024x128xf32, #tpu.memory_space<vmem_shared>> -> memref<1024x128xf32, #tpu.memory_space<vmem_shared>>
        tpu.enqueue_indirect_dma source(%arg10 : memref<128x128xf32, #tpu.memory_space<vmem>>) target(%dma_start3A_118 : memref<1024x128xf32, #tpu.memory_space<vmem_shared>>) offsets(%dma_start3A_115 : memref<128xi32, #tpu.memory_space<vmem>>) semaphore(%run_scoped3A_113 : memref<!tpu.dma_semaphore, #tpu.memory_space<semaphore_mem>>) {add = true}
        %dma_wait3A = arith.constant 0 : i32
        %dma_wait3A_119 = tpu.memref_slice %arg14[%run_scoped3A_109, %dma_wait3A] : memref<1x128xi32, #tpu.memory_space<vmem>> -> memref<1x128xi32, #tpu.memory_space<vmem>>
        %dma_wait3A_120 = tpu.memref_squeeze %dma_wait3A_119 : memref<1x128xi32, #tpu.memory_space<vmem>> -> memref<128xi32, #tpu.memory_space<vmem>>
        %dma_wait3A_121 = arith.constant 0 : i32
        %dma_wait3A_122 = arith.constant 0 : i32
        %dma_wait3A_123 = tpu.memref_slice %arg17[%dma_wait3A_121, %dma_wait3A_122] : memref<1024x128xf32, #tpu.memory_space<vmem_shared>> -> memref<1024x128xf32, #tpu.memory_space<vmem_shared>>
        tpu.wait_indirect_dma semaphore(%run_scoped3A_113 : memref<!tpu.dma_semaphore, #tpu.memory_space<semaphore_mem>>) src(%arg10 : memref<128x128xf32, #tpu.memory_space<vmem>>) dst(%dma_wait3A_123 : memref<1024x128xf32, #tpu.memory_space<vmem_shared>>)
        tpu.yield
      }) : () -> ()
      %run_scoped3A_110 = arith.constant 0 : i32
      "tpu.region"() ({
        %run_scoped3A_113 = tpu.sem_alloc : memref<!tpu.dma_semaphore, #tpu.memory_space<semaphore_mem>>
        %dma_start3A = arith.constant 0 : i32
        %dma_start3A_114 = tpu.memref_slice %arg15[%run_scoped3A_110, %dma_start3A] : memref<1x32xi32, #tpu.memory_space<vmem>> -> memref<1x32xi32, #tpu.memory_space<vmem>>
        %dma_start3A_115 = tpu.memref_squeeze %dma_start3A_114 : memref<1x32xi32, #tpu.memory_space<vmem>> -> memref<32xi32, #tpu.memory_space<vmem>>
        %dma_start3A_116 = arith.constant 99968 : i32
        %dma_start3A_117 = tpu.memref_slice %arg3[%dma_start3A_116] : memref<100000xi32, #tpu.memory_space<hbm>> -> memref<32xi32, #tpu.memory_space<hbm>>
        %dma_start3A_118 = arith.constant 0 : i32
        %dma_start3A_119 = tpu.memref_slice %arg15[%run_scoped3A_110, %dma_start3A_118] : memref<1x32xi32, #tpu.memory_space<vmem>> -> memref<1x32xi32, #tpu.memory_space<vmem>>
        %dma_start3A_120 = tpu.memref_squeeze %dma_start3A_119 : memref<1x32xi32, #tpu.memory_space<vmem>> -> memref<32xi32, #tpu.memory_space<vmem>>
        %dma_start3A_121 = arith.constant 99968 : i32
        %dma_start3A_122 = tpu.memref_slice %arg3[%dma_start3A_121] : memref<100000xi32, #tpu.memory_space<hbm>> -> memref<32xi32, #tpu.memory_space<hbm>>
        tpu.enqueue_dma source(%dma_start3A_122 : memref<32xi32, #tpu.memory_space<hbm>>) target(%dma_start3A_120 : memref<32xi32, #tpu.memory_space<vmem>>) target_semaphore(%run_scoped3A_113 : memref<!tpu.dma_semaphore, #tpu.memory_space<semaphore_mem>>)
        %dma_wait3A = arith.constant 0 : i32
        %dma_wait3A_123 = tpu.memref_slice %arg15[%run_scoped3A_110, %dma_wait3A] : memref<1x32xi32, #tpu.memory_space<vmem>> -> memref<1x32xi32, #tpu.memory_space<vmem>>
        %dma_wait3A_124 = tpu.memref_squeeze %dma_wait3A_123 : memref<1x32xi32, #tpu.memory_space<vmem>> -> memref<32xi32, #tpu.memory_space<vmem>>
        %dma_wait3A_125 = arith.constant 99968 : i32
        %dma_wait3A_126 = tpu.memref_slice %arg3[%dma_wait3A_125] : memref<100000xi32, #tpu.memory_space<hbm>> -> memref<32xi32, #tpu.memory_space<hbm>>
        %dma_wait3A_127 = arith.constant 0 : i32
        %dma_wait3A_128 = tpu.memref_slice %arg15[%run_scoped3A_110, %dma_wait3A_127] : memref<1x32xi32, #tpu.memory_space<vmem>> -> memref<1x32xi32, #tpu.memory_space<vmem>>
        %dma_wait3A_129 = tpu.memref_squeeze %dma_wait3A_128 : memref<1x32xi32, #tpu.memory_space<vmem>> -> memref<32xi32, #tpu.memory_space<vmem>>
        %dma_wait3A_130 = arith.constant 99968 : i32
        %dma_wait3A_131 = tpu.memref_slice %arg3[%dma_wait3A_130] : memref<100000xi32, #tpu.memory_space<hbm>> -> memref<32xi32, #tpu.memory_space<hbm>>
        tpu.wait_dma2 semaphore(%run_scoped3A_113 : memref<!tpu.dma_semaphore, #tpu.memory_space<semaphore_mem>>) src(%dma_wait3A_131 : memref<32xi32, #tpu.memory_space<hbm>>) dst(%dma_wait3A_129 : memref<32xi32, #tpu.memory_space<vmem>>)
        tpu.yield
      }) : () -> ()
      "tpu.region"() ({
        %run_scoped3A_113 = tpu.sem_alloc : memref<!tpu.dma_semaphore, #tpu.memory_space<semaphore_mem>>
        %dma_start3A = arith.constant 99968 : i32
        %dma_start3A_114 = arith.constant 0 : i32
        %dma_start3A_115 = tpu.memref_slice %arg2[%dma_start3A, %dma_start3A_114] : memref<100000x128xf32, #tpu.memory_space<hbm>> -> memref<32x128xf32, #tpu.memory_space<hbm>>
        %dma_start3A_116 = arith.constant 99968 : i32
        %dma_start3A_117 = arith.constant 0 : i32
        %dma_start3A_118 = tpu.memref_slice %arg2[%dma_start3A_116, %dma_start3A_117] : memref<100000x128xf32, #tpu.memory_space<hbm>> -> memref<32x128xf32, #tpu.memory_space<hbm>>
        tpu.enqueue_dma source(%dma_start3A_118 : memref<32x128xf32, #tpu.memory_space<hbm>>) target(%arg13 : memref<32x128xf32, #tpu.memory_space<vmem>>) target_semaphore(%run_scoped3A_113 : memref<!tpu.dma_semaphore, #tpu.memory_space<semaphore_mem>>)
        %dma_wait3A = arith.constant 99968 : i32
        %dma_wait3A_119 = arith.constant 0 : i32
        %dma_wait3A_120 = tpu.memref_slice %arg2[%dma_wait3A, %dma_wait3A_119] : memref<100000x128xf32, #tpu.memory_space<hbm>> -> memref<32x128xf32, #tpu.memory_space<hbm>>
        %dma_wait3A_121 = arith.constant 99968 : i32
        %dma_wait3A_122 = arith.constant 0 : i32
        %dma_wait3A_123 = tpu.memref_slice %arg2[%dma_wait3A_121, %dma_wait3A_122] : memref<100000x128xf32, #tpu.memory_space<hbm>> -> memref<32x128xf32, #tpu.memory_space<hbm>>
        tpu.wait_dma2 semaphore(%run_scoped3A_113 : memref<!tpu.dma_semaphore, #tpu.memory_space<semaphore_mem>>) src(%dma_wait3A_123 : memref<32x128xf32, #tpu.memory_space<hbm>>) dst(%arg13 : memref<32x128xf32, #tpu.memory_space<vmem>>)
        tpu.yield
      }) : () -> ()
      %run_scoped3A_111 = arith.constant 0 : i32
      "tpu.region"() ({
        %run_scoped3A_113 = tpu.sem_alloc : memref<!tpu.dma_semaphore, #tpu.memory_space<semaphore_mem>>
        %dma_start3A = arith.constant 0 : i32
        %dma_start3A_114 = tpu.memref_slice %arg15[%run_scoped3A_111, %dma_start3A] : memref<1x32xi32, #tpu.memory_space<vmem>> -> memref<1x32xi32, #tpu.memory_space<vmem>>
        %dma_start3A_115 = tpu.memref_squeeze %dma_start3A_114 : memref<1x32xi32, #tpu.memory_space<vmem>> -> memref<32xi32, #tpu.memory_space<vmem>>
        %dma_start3A_116 = arith.constant 0 : i32
        %dma_start3A_117 = arith.constant 0 : i32
        %dma_start3A_118 = tpu.memref_slice %arg16[%dma_start3A_116, %dma_start3A_117] : memref<1024x128xf32, #tpu.memory_space<vmem_shared>> -> memref<1024x128xf32, #tpu.memory_space<vmem_shared>>
        tpu.enqueue_indirect_dma source(%arg13 : memref<32x128xf32, #tpu.memory_space<vmem>>) target(%dma_start3A_118 : memref<1024x128xf32, #tpu.memory_space<vmem_shared>>) offsets(%dma_start3A_115 : memref<32xi32, #tpu.memory_space<vmem>>) semaphore(%run_scoped3A_113 : memref<!tpu.dma_semaphore, #tpu.memory_space<semaphore_mem>>) {add = true}
        %dma_wait3A = arith.constant 0 : i32
        %dma_wait3A_119 = tpu.memref_slice %arg15[%run_scoped3A_111, %dma_wait3A] : memref<1x32xi32, #tpu.memory_space<vmem>> -> memref<1x32xi32, #tpu.memory_space<vmem>>
        %dma_wait3A_120 = tpu.memref_squeeze %dma_wait3A_119 : memref<1x32xi32, #tpu.memory_space<vmem>> -> memref<32xi32, #tpu.memory_space<vmem>>
        %dma_wait3A_121 = arith.constant 0 : i32
        %dma_wait3A_122 = arith.constant 0 : i32
        %dma_wait3A_123 = tpu.memref_slice %arg16[%dma_wait3A_121, %dma_wait3A_122] : memref<1024x128xf32, #tpu.memory_space<vmem_shared>> -> memref<1024x128xf32, #tpu.memory_space<vmem_shared>>
        tpu.wait_indirect_dma semaphore(%run_scoped3A_113 : memref<!tpu.dma_semaphore, #tpu.memory_space<semaphore_mem>>) src(%arg13 : memref<32x128xf32, #tpu.memory_space<vmem>>) dst(%dma_wait3A_123 : memref<1024x128xf32, #tpu.memory_space<vmem_shared>>)
        tpu.yield
      }) : () -> ()
      %run_scoped3A_112 = arith.constant 0 : i32
      "tpu.region"() ({
        %run_scoped3A_113 = tpu.sem_alloc : memref<!tpu.dma_semaphore, #tpu.memory_space<semaphore_mem>>
        %dma_start3A = arith.constant 0 : i32
        %dma_start3A_114 = arith.constant 0 : i32
        %dma_start3A_115 = tpu.memref_slice %arg10[%dma_start3A, %dma_start3A_114] : memref<128x128xf32, #tpu.memory_space<vmem>> -> memref<32x128xf32, #tpu.memory_space<vmem>>
        %dma_start3A_116 = arith.constant 0 : i32
        %dma_start3A_117 = tpu.memref_slice %arg15[%run_scoped3A_112, %dma_start3A_116] : memref<1x32xi32, #tpu.memory_space<vmem>> -> memref<1x32xi32, #tpu.memory_space<vmem>>
        %dma_start3A_118 = tpu.memref_squeeze %dma_start3A_117 : memref<1x32xi32, #tpu.memory_space<vmem>> -> memref<32xi32, #tpu.memory_space<vmem>>
        %dma_start3A_119 = arith.constant 0 : i32
        %dma_start3A_120 = arith.constant 0 : i32
        %dma_start3A_121 = tpu.memref_slice %arg17[%dma_start3A_119, %dma_start3A_120] : memref<1024x128xf32, #tpu.memory_space<vmem_shared>> -> memref<1024x128xf32, #tpu.memory_space<vmem_shared>>
        tpu.enqueue_indirect_dma source(%dma_start3A_115 : memref<32x128xf32, #tpu.memory_space<vmem>>) target(%dma_start3A_121 : memref<1024x128xf32, #tpu.memory_space<vmem_shared>>) offsets(%dma_start3A_118 : memref<32xi32, #tpu.memory_space<vmem>>) semaphore(%run_scoped3A_113 : memref<!tpu.dma_semaphore, #tpu.memory_space<semaphore_mem>>) {add = true}
        %dma_wait3A = arith.constant 0 : i32
        %dma_wait3A_122 = arith.constant 0 : i32
        %dma_wait3A_123 = tpu.memref_slice %arg10[%dma_wait3A, %dma_wait3A_122] : memref<128x128xf32, #tpu.memory_space<vmem>> -> memref<32x128xf32, #tpu.memory_space<vmem>>
        %dma_wait3A_124 = arith.constant 0 : i32
        %dma_wait3A_125 = tpu.memref_slice %arg15[%run_scoped3A_112, %dma_wait3A_124] : memref<1x32xi32, #tpu.memory_space<vmem>> -> memref<1x32xi32, #tpu.memory_space<vmem>>
        %dma_wait3A_126 = tpu.memref_squeeze %dma_wait3A_125 : memref<1x32xi32, #tpu.memory_space<vmem>> -> memref<32xi32, #tpu.memory_space<vmem>>
        %dma_wait3A_127 = arith.constant 0 : i32
        %dma_wait3A_128 = arith.constant 0 : i32
        %dma_wait3A_129 = tpu.memref_slice %arg17[%dma_wait3A_127, %dma_wait3A_128] : memref<1024x128xf32, #tpu.memory_space<vmem_shared>> -> memref<1024x128xf32, #tpu.memory_space<vmem_shared>>
        tpu.wait_indirect_dma semaphore(%run_scoped3A_113 : memref<!tpu.dma_semaphore, #tpu.memory_space<semaphore_mem>>) src(%dma_wait3A_123 : memref<32x128xf32, #tpu.memory_space<vmem>>) dst(%dma_wait3A_129 : memref<1024x128xf32, #tpu.memory_space<vmem_shared>>)
        tpu.yield
      }) : () -> ()
    } else {
    }
    %barrier3A_99 = arith.constant 0 : index
    tpu.barrier barrier_id(%barrier3A_99)
    %mul3A_100 = arith.constant 64 : i32
    %mul3A_101 = arith.muli %arg1, %mul3A_100 : i32
    %mul3A_102 = arith.constant 64 : i32
    %mul3A_103 = arith.muli %arg1, %mul3A_102 : i32
    "tpu.region"() ({
      %run_scoped3A = tpu.sem_alloc : memref<!tpu.dma_semaphore, #tpu.memory_space<semaphore_mem>>
      %dma_start3A = arith.constant 0 : i32
      %dma_start3A_108 = tpu.memref_slice %arg4[%arg0, %mul3A_103, %dma_start3A] : memref<2x1024x128xf32, #tpu.memory_space<hbm>> -> memref<1x64x128xf32, #tpu.memory_space<hbm>>
      %dma_start3A_109 = tpu.memref_squeeze %dma_start3A_108 : memref<1x64x128xf32, #tpu.memory_space<hbm>> -> memref<64x128xf32, #tpu.memory_space<hbm>>
      %dma_start3A_110 = arith.constant 0 : i32
      %dma_start3A_111 = tpu.memref_slice %arg16[%mul3A_101, %dma_start3A_110] : memref<1024x128xf32, #tpu.memory_space<vmem_shared>> -> memref<64x128xf32, #tpu.memory_space<vmem_shared>>
      tpu.enqueue_dma source(%dma_start3A_111 : memref<64x128xf32, #tpu.memory_space<vmem_shared>>) target(%dma_start3A_109 : memref<64x128xf32, #tpu.memory_space<hbm>>) target_semaphore(%run_scoped3A : memref<!tpu.dma_semaphore, #tpu.memory_space<semaphore_mem>>)
      %dma_wait3A = arith.constant 0 : i32
      %dma_wait3A_112 = tpu.memref_slice %arg4[%arg0, %mul3A_103, %dma_wait3A] : memref<2x1024x128xf32, #tpu.memory_space<hbm>> -> memref<1x64x128xf32, #tpu.memory_space<hbm>>
      %dma_wait3A_113 = tpu.memref_squeeze %dma_wait3A_112 : memref<1x64x128xf32, #tpu.memory_space<hbm>> -> memref<64x128xf32, #tpu.memory_space<hbm>>
      %dma_wait3A_114 = arith.constant 0 : i32
      %dma_wait3A_115 = tpu.memref_slice %arg16[%mul3A_101, %dma_wait3A_114] : memref<1024x128xf32, #tpu.memory_space<vmem_shared>> -> memref<64x128xf32, #tpu.memory_space<vmem_shared>>
      tpu.wait_dma2 semaphore(%run_scoped3A : memref<!tpu.dma_semaphore, #tpu.memory_space<semaphore_mem>>) src(%dma_wait3A_115 : memref<64x128xf32, #tpu.memory_space<vmem_shared>>) dst(%dma_wait3A_113 : memref<64x128xf32, #tpu.memory_space<hbm>>)
      tpu.yield
    }) : () -> ()
    %mul3A_104 = arith.constant 64 : i32
    %mul3A_105 = arith.muli %arg1, %mul3A_104 : i32
    %mul3A_106 = arith.constant 64 : i32
    %mul3A_107 = arith.muli %arg1, %mul3A_106 : i32
    "tpu.region"() ({
      %run_scoped3A = tpu.sem_alloc : memref<!tpu.dma_semaphore, #tpu.memory_space<semaphore_mem>>
      %dma_start3A = arith.constant 0 : i32
      %dma_start3A_108 = tpu.memref_slice %arg5[%arg0, %mul3A_107, %dma_start3A] : memref<2x1024x128xf32, #tpu.memory_space<hbm>> -> memref<1x64x128xf32, #tpu.memory_space<hbm>>
      %dma_start3A_109 = tpu.memref_squeeze %dma_start3A_108 : memref<1x64x128xf32, #tpu.memory_space<hbm>> -> memref<64x128xf32, #tpu.memory_space<hbm>>
      %dma_start3A_110 = arith.constant 0 : i32
      %dma_start3A_111 = tpu.memref_slice %arg17[%mul3A_105, %dma_start3A_110] : memref<1024x128xf32, #tpu.memory_space<vmem_shared>> -> memref<64x128xf32, #tpu.memory_space<vmem_shared>>
      tpu.enqueue_dma source(%dma_start3A_111 : memref<64x128xf32, #tpu.memory_space<vmem_shared>>) target(%dma_start3A_109 : memref<64x128xf32, #tpu.memory_space<hbm>>) target_semaphore(%run_scoped3A : memref<!tpu.dma_semaphore, #tpu.memory_space<semaphore_mem>>)
      %dma_wait3A = arith.constant 0 : i32
      %dma_wait3A_112 = tpu.memref_slice %arg5[%arg0, %mul3A_107, %dma_wait3A] : memref<2x1024x128xf32, #tpu.memory_space<hbm>> -> memref<1x64x128xf32, #tpu.memory_space<hbm>>
      %dma_wait3A_113 = tpu.memref_squeeze %dma_wait3A_112 : memref<1x64x128xf32, #tpu.memory_space<hbm>> -> memref<64x128xf32, #tpu.memory_space<hbm>>
      %dma_wait3A_114 = arith.constant 0 : i32
      %dma_wait3A_115 = tpu.memref_slice %arg17[%mul3A_105, %dma_wait3A_114] : memref<1024x128xf32, #tpu.memory_space<vmem_shared>> -> memref<64x128xf32, #tpu.memory_space<vmem_shared>>
      tpu.wait_dma2 semaphore(%run_scoped3A : memref<!tpu.dma_semaphore, #tpu.memory_space<semaphore_mem>>) src(%dma_wait3A_115 : memref<64x128xf32, #tpu.memory_space<vmem_shared>>) dst(%dma_wait3A_113 : memref<64x128xf32, #tpu.memory_space<hbm>>)
      tpu.yield
    }) : () -> ()
    return
  }
}

module attributes {stable_mosaic.version = 14 : i64} {
  func.func @_dense_body(%arg0: memref<2x1024x128xf32, #tpu.memory_space<vmem>>, %arg1: memref<2x1024x128xf32, #tpu.memory_space<vmem>>, %arg2: memref<1024x1xi32, #tpu.memory_space<vmem>>, %arg3: memref<8x128x128xf32, #tpu.memory_space<vmem>>, %arg4: memref<8x128xf32, #tpu.memory_space<vmem>>, %arg5: memref<8x128x2xf32, #tpu.memory_space<vmem>>, %arg6: memref<8x2xf32, #tpu.memory_space<vmem>>, %arg7: memref<1024x1xf32, #tpu.memory_space<vmem>>, %arg8: memref<1024x1xf32, #tpu.memory_space<vmem>>) attributes {dimension_semantics = [], scalar_prefetch = 0 : i64, scratch_operands = 0 : i64, tpu.core_type = #tpu.core_type<tc>} {
    %get3A = arith.constant 0 : index
    %get3A_0 = arith.constant 0 : index
    %get3A_1 = arith.constant 0 : index
    %get3A_2 = vector.load %arg0[%get3A, %get3A_0, %get3A_1] : memref<2x1024x128xf32, #tpu.memory_space<vmem>>, vector<1x1024x128xf32>
    %get3A_3 = vector.shape_cast %get3A_2 : vector<1x1024x128xf32> to vector<1024x128xf32>
    %get3A_4 = arith.constant 1 : index
    %get3A_5 = arith.constant 0 : index
    %get3A_6 = arith.constant 0 : index
    %get3A_7 = vector.load %arg0[%get3A_4, %get3A_5, %get3A_6] : memref<2x1024x128xf32, #tpu.memory_space<vmem>>, vector<1x1024x128xf32>
    %get3A_8 = vector.shape_cast %get3A_7 : vector<1x1024x128xf32> to vector<1024x128xf32>
    %add3A = arith.addf %get3A_3, %get3A_8 : vector<1024x128xf32>
    %get3A_9 = arith.constant 0 : index
    %get3A_10 = arith.constant 0 : index
    %get3A_11 = arith.constant 0 : index
    %get3A_12 = vector.load %arg1[%get3A_9, %get3A_10, %get3A_11] : memref<2x1024x128xf32, #tpu.memory_space<vmem>>, vector<1x1024x1xf32>
    %get3A_13 = vector.shape_cast %get3A_12 : vector<1x1024x1xf32> to vector<1024x1xf32>
    %get3A_14 = arith.constant 1 : index
    %get3A_15 = arith.constant 0 : index
    %get3A_16 = arith.constant 0 : index
    %get3A_17 = vector.load %arg1[%get3A_14, %get3A_15, %get3A_16] : memref<2x1024x128xf32, #tpu.memory_space<vmem>>, vector<1x1024x1xf32>
    %get3A_18 = vector.shape_cast %get3A_17 : vector<1x1024x1xf32> to vector<1024x1xf32>
    %add3A_19 = arith.addf %get3A_13, %get3A_18 : vector<1024x1xf32>
    %max3A = arith.constant 1.000000e+00 : f32
    %max3A_20 = vector.broadcast %max3A : f32 to vector<1024x1xf32>
    %max3A_21 = arith.maximumf %add3A_19, %max3A_20 : vector<1024x1xf32>
    %div3A = vector.broadcast %max3A_21 : vector<1024x1xf32> to vector<1024x128xf32>
    %div3A_22 = arith.divf %add3A, %div3A : vector<1024x128xf32>
    %get3A_23 = arith.constant 0 : index
    %get3A_24 = arith.constant 0 : index
    %get3A_25 = vector.load %arg2[%get3A_23, %get3A_24] : memref<1024x1xi32, #tpu.memory_space<vmem>>, vector<1024x1xi32>
    %broadcast_in_dim3A = arith.constant 0.000000e+00 : f32
    %broadcast_in_dim3A_26 = vector.broadcast %broadcast_in_dim3A : f32 to vector<1024x2xf32>
    %get3A_27 = arith.constant 0 : index
    %get3A_28 = arith.constant 0 : index
    %get3A_29 = arith.constant 0 : index
    %get3A_30 = vector.load %arg3[%get3A_27, %get3A_28, %get3A_29] : memref<8x128x128xf32, #tpu.memory_space<vmem>>, vector<1x128x128xf32>
    %get3A_31 = vector.shape_cast %get3A_30 : vector<1x128x128xf32> to vector<128x128xf32>
    %dot_general3A = arith.constant dense<0.000000e+00> : vector<1024x128xf32>
    %dot_general3A_32 = tpu.matmul %div3A_22, %get3A_31, %dot_general3A {dimension_numbers = #tpu.dot_dimension_numbers<[1], [0], [0], [1], [0, 0, 1, 1], [], []>, transpose_lhs_hint = false} : vector<1024x128xf32>, vector<128x128xf32>, vector<1024x128xf32> -> vector<1024x128xf32>
    %get3A_33 = arith.constant 0 : index
    %get3A_34 = arith.constant 0 : index
    %get3A_35 = vector.load %arg4[%get3A_33, %get3A_34] : memref<8x128xf32, #tpu.memory_space<vmem>>, vector<1x128xf32>
    %get3A_36 = vector.shape_cast %get3A_35 : vector<1x128xf32> to vector<128xf32>
    %broadcast_in_dim3A_37 = vector.shape_cast %get3A_36 : vector<128xf32> to vector<1x128xf32>
    %add3A_38 = vector.broadcast %broadcast_in_dim3A_37 : vector<1x128xf32> to vector<1024x128xf32>
    %add3A_39 = arith.addf %dot_general3A_32, %add3A_38 : vector<1024x128xf32>
    %max3A_40 = arith.constant 0.000000e+00 : f32
    %max3A_41 = vector.broadcast %max3A_40 : f32 to vector<1024x128xf32>
    %max3A_42 = arith.maximumf %add3A_39, %max3A_41 : vector<1024x128xf32>
    %get3A_43 = arith.constant 0 : index
    %get3A_44 = arith.constant 0 : index
    %get3A_45 = arith.constant 0 : index
    %get3A_46 = vector.load %arg5[%get3A_43, %get3A_44, %get3A_45] : memref<8x128x2xf32, #tpu.memory_space<vmem>>, vector<1x128x2xf32>
    %get3A_47 = vector.shape_cast %get3A_46 : vector<1x128x2xf32> to vector<128x2xf32>
    %dot_general3A_48 = arith.constant dense<0.000000e+00> : vector<1024x2xf32>
    %dot_general3A_49 = tpu.matmul %max3A_42, %get3A_47, %dot_general3A_48 {dimension_numbers = #tpu.dot_dimension_numbers<[1], [0], [0], [1], [0, 0, 1, 1], [], []>, transpose_lhs_hint = false} : vector<1024x128xf32>, vector<128x2xf32>, vector<1024x2xf32> -> vector<1024x2xf32>
    %get3A_50 = arith.constant 0 : index
    %get3A_51 = arith.constant 0 : index
    %get3A_52 = vector.load %arg6[%get3A_50, %get3A_51] : memref<8x2xf32, #tpu.memory_space<vmem>>, vector<1x2xf32>
    %get3A_53 = vector.shape_cast %get3A_52 : vector<1x2xf32> to vector<2xf32>
    %broadcast_in_dim3A_54 = vector.shape_cast %get3A_53 : vector<2xf32> to vector<1x2xf32>
    %add3A_55 = vector.broadcast %broadcast_in_dim3A_54 : vector<1x2xf32> to vector<1024x2xf32>
    %add3A_56 = arith.addf %dot_general3A_49, %add3A_55 : vector<1024x2xf32>
    %eq3A = arith.constant 0 : i32
    %eq3A_57 = vector.broadcast %eq3A : i32 to vector<1024x1xi32>
    %eq3A_58 = arith.cmpi eq, %get3A_25, %eq3A_57 : vector<1024x1xi32>
    %broadcast_in_dim3A_59 = vector.shape_cast %eq3A_58 : vector<1024x1xi1> to vector<1024x1xi1>
    %broadcast_in_dim3A_60 = vector.broadcast %broadcast_in_dim3A_59 : vector<1024x1xi1> to vector<1024x2xi1>
    %select_n3A = arith.select %broadcast_in_dim3A_60, %add3A_56, %broadcast_in_dim3A_26 : vector<1024x2xi1>, vector<1024x2xf32>
    %get3A_61 = arith.constant 1 : index
    %get3A_62 = arith.constant 0 : index
    %get3A_63 = arith.constant 0 : index
    %get3A_64 = vector.load %arg3[%get3A_61, %get3A_62, %get3A_63] : memref<8x128x128xf32, #tpu.memory_space<vmem>>, vector<1x128x128xf32>
    %get3A_65 = vector.shape_cast %get3A_64 : vector<1x128x128xf32> to vector<128x128xf32>
    %dot_general3A_66 = arith.constant dense<0.000000e+00> : vector<1024x128xf32>
    %dot_general3A_67 = tpu.matmul %div3A_22, %get3A_65, %dot_general3A_66 {dimension_numbers = #tpu.dot_dimension_numbers<[1], [0], [0], [1], [0, 0, 1, 1], [], []>, transpose_lhs_hint = false} : vector<1024x128xf32>, vector<128x128xf32>, vector<1024x128xf32> -> vector<1024x128xf32>
    %get3A_68 = arith.constant 1 : index
    %get3A_69 = arith.constant 0 : index
    %get3A_70 = vector.load %arg4[%get3A_68, %get3A_69] : memref<8x128xf32, #tpu.memory_space<vmem>>, vector<1x128xf32>
    %get3A_71 = vector.shape_cast %get3A_70 : vector<1x128xf32> to vector<128xf32>
    %broadcast_in_dim3A_72 = vector.shape_cast %get3A_71 : vector<128xf32> to vector<1x128xf32>
    %add3A_73 = vector.broadcast %broadcast_in_dim3A_72 : vector<1x128xf32> to vector<1024x128xf32>
    %add3A_74 = arith.addf %dot_general3A_67, %add3A_73 : vector<1024x128xf32>
    %max3A_75 = arith.constant 0.000000e+00 : f32
    %max3A_76 = vector.broadcast %max3A_75 : f32 to vector<1024x128xf32>
    %max3A_77 = arith.maximumf %add3A_74, %max3A_76 : vector<1024x128xf32>
    %get3A_78 = arith.constant 1 : index
    %get3A_79 = arith.constant 0 : index
    %get3A_80 = arith.constant 0 : index
    %get3A_81 = vector.load %arg5[%get3A_78, %get3A_79, %get3A_80] : memref<8x128x2xf32, #tpu.memory_space<vmem>>, vector<1x128x2xf32>
    %get3A_82 = vector.shape_cast %get3A_81 : vector<1x128x2xf32> to vector<128x2xf32>
    %dot_general3A_83 = arith.constant dense<0.000000e+00> : vector<1024x2xf32>
    %dot_general3A_84 = tpu.matmul %max3A_77, %get3A_82, %dot_general3A_83 {dimension_numbers = #tpu.dot_dimension_numbers<[1], [0], [0], [1], [0, 0, 1, 1], [], []>, transpose_lhs_hint = false} : vector<1024x128xf32>, vector<128x2xf32>, vector<1024x2xf32> -> vector<1024x2xf32>
    %get3A_85 = arith.constant 1 : index
    %get3A_86 = arith.constant 0 : index
    %get3A_87 = vector.load %arg6[%get3A_85, %get3A_86] : memref<8x2xf32, #tpu.memory_space<vmem>>, vector<1x2xf32>
    %get3A_88 = vector.shape_cast %get3A_87 : vector<1x2xf32> to vector<2xf32>
    %broadcast_in_dim3A_89 = vector.shape_cast %get3A_88 : vector<2xf32> to vector<1x2xf32>
    %add3A_90 = vector.broadcast %broadcast_in_dim3A_89 : vector<1x2xf32> to vector<1024x2xf32>
    %add3A_91 = arith.addf %dot_general3A_84, %add3A_90 : vector<1024x2xf32>
    %eq3A_92 = arith.constant 1 : i32
    %eq3A_93 = vector.broadcast %eq3A_92 : i32 to vector<1024x1xi32>
    %eq3A_94 = arith.cmpi eq, %get3A_25, %eq3A_93 : vector<1024x1xi32>
    %broadcast_in_dim3A_95 = vector.shape_cast %eq3A_94 : vector<1024x1xi1> to vector<1024x1xi1>
    %broadcast_in_dim3A_96 = vector.broadcast %broadcast_in_dim3A_95 : vector<1024x1xi1> to vector<1024x2xi1>
    %select_n3A_97 = arith.select %broadcast_in_dim3A_96, %add3A_91, %select_n3A : vector<1024x2xi1>, vector<1024x2xf32>
    %get3A_98 = arith.constant 2 : index
    %get3A_99 = arith.constant 0 : index
    %get3A_100 = arith.constant 0 : index
    %get3A_101 = vector.load %arg3[%get3A_98, %get3A_99, %get3A_100] : memref<8x128x128xf32, #tpu.memory_space<vmem>>, vector<1x128x128xf32>
    %get3A_102 = vector.shape_cast %get3A_101 : vector<1x128x128xf32> to vector<128x128xf32>
    %dot_general3A_103 = arith.constant dense<0.000000e+00> : vector<1024x128xf32>
    %dot_general3A_104 = tpu.matmul %div3A_22, %get3A_102, %dot_general3A_103 {dimension_numbers = #tpu.dot_dimension_numbers<[1], [0], [0], [1], [0, 0, 1, 1], [], []>, transpose_lhs_hint = false} : vector<1024x128xf32>, vector<128x128xf32>, vector<1024x128xf32> -> vector<1024x128xf32>
    %get3A_105 = arith.constant 2 : index
    %get3A_106 = arith.constant 0 : index
    %get3A_107 = vector.load %arg4[%get3A_105, %get3A_106] : memref<8x128xf32, #tpu.memory_space<vmem>>, vector<1x128xf32>
    %get3A_108 = vector.shape_cast %get3A_107 : vector<1x128xf32> to vector<128xf32>
    %broadcast_in_dim3A_109 = vector.shape_cast %get3A_108 : vector<128xf32> to vector<1x128xf32>
    %add3A_110 = vector.broadcast %broadcast_in_dim3A_109 : vector<1x128xf32> to vector<1024x128xf32>
    %add3A_111 = arith.addf %dot_general3A_104, %add3A_110 : vector<1024x128xf32>
    %max3A_112 = arith.constant 0.000000e+00 : f32
    %max3A_113 = vector.broadcast %max3A_112 : f32 to vector<1024x128xf32>
    %max3A_114 = arith.maximumf %add3A_111, %max3A_113 : vector<1024x128xf32>
    %get3A_115 = arith.constant 2 : index
    %get3A_116 = arith.constant 0 : index
    %get3A_117 = arith.constant 0 : index
    %get3A_118 = vector.load %arg5[%get3A_115, %get3A_116, %get3A_117] : memref<8x128x2xf32, #tpu.memory_space<vmem>>, vector<1x128x2xf32>
    %get3A_119 = vector.shape_cast %get3A_118 : vector<1x128x2xf32> to vector<128x2xf32>
    %dot_general3A_120 = arith.constant dense<0.000000e+00> : vector<1024x2xf32>
    %dot_general3A_121 = tpu.matmul %max3A_114, %get3A_119, %dot_general3A_120 {dimension_numbers = #tpu.dot_dimension_numbers<[1], [0], [0], [1], [0, 0, 1, 1], [], []>, transpose_lhs_hint = false} : vector<1024x128xf32>, vector<128x2xf32>, vector<1024x2xf32> -> vector<1024x2xf32>
    %get3A_122 = arith.constant 2 : index
    %get3A_123 = arith.constant 0 : index
    %get3A_124 = vector.load %arg6[%get3A_122, %get3A_123] : memref<8x2xf32, #tpu.memory_space<vmem>>, vector<1x2xf32>
    %get3A_125 = vector.shape_cast %get3A_124 : vector<1x2xf32> to vector<2xf32>
    %broadcast_in_dim3A_126 = vector.shape_cast %get3A_125 : vector<2xf32> to vector<1x2xf32>
    %add3A_127 = vector.broadcast %broadcast_in_dim3A_126 : vector<1x2xf32> to vector<1024x2xf32>
    %add3A_128 = arith.addf %dot_general3A_121, %add3A_127 : vector<1024x2xf32>
    %eq3A_129 = arith.constant 2 : i32
    %eq3A_130 = vector.broadcast %eq3A_129 : i32 to vector<1024x1xi32>
    %eq3A_131 = arith.cmpi eq, %get3A_25, %eq3A_130 : vector<1024x1xi32>
    %broadcast_in_dim3A_132 = vector.shape_cast %eq3A_131 : vector<1024x1xi1> to vector<1024x1xi1>
    %broadcast_in_dim3A_133 = vector.broadcast %broadcast_in_dim3A_132 : vector<1024x1xi1> to vector<1024x2xi1>
    %select_n3A_134 = arith.select %broadcast_in_dim3A_133, %add3A_128, %select_n3A_97 : vector<1024x2xi1>, vector<1024x2xf32>
    %get3A_135 = arith.constant 3 : index
    %get3A_136 = arith.constant 0 : index
    %get3A_137 = arith.constant 0 : index
    %get3A_138 = vector.load %arg3[%get3A_135, %get3A_136, %get3A_137] : memref<8x128x128xf32, #tpu.memory_space<vmem>>, vector<1x128x128xf32>
    %get3A_139 = vector.shape_cast %get3A_138 : vector<1x128x128xf32> to vector<128x128xf32>
    %dot_general3A_140 = arith.constant dense<0.000000e+00> : vector<1024x128xf32>
    %dot_general3A_141 = tpu.matmul %div3A_22, %get3A_139, %dot_general3A_140 {dimension_numbers = #tpu.dot_dimension_numbers<[1], [0], [0], [1], [0, 0, 1, 1], [], []>, transpose_lhs_hint = false} : vector<1024x128xf32>, vector<128x128xf32>, vector<1024x128xf32> -> vector<1024x128xf32>
    %get3A_142 = arith.constant 3 : index
    %get3A_143 = arith.constant 0 : index
    %get3A_144 = vector.load %arg4[%get3A_142, %get3A_143] : memref<8x128xf32, #tpu.memory_space<vmem>>, vector<1x128xf32>
    %get3A_145 = vector.shape_cast %get3A_144 : vector<1x128xf32> to vector<128xf32>
    %broadcast_in_dim3A_146 = vector.shape_cast %get3A_145 : vector<128xf32> to vector<1x128xf32>
    %add3A_147 = vector.broadcast %broadcast_in_dim3A_146 : vector<1x128xf32> to vector<1024x128xf32>
    %add3A_148 = arith.addf %dot_general3A_141, %add3A_147 : vector<1024x128xf32>
    %max3A_149 = arith.constant 0.000000e+00 : f32
    %max3A_150 = vector.broadcast %max3A_149 : f32 to vector<1024x128xf32>
    %max3A_151 = arith.maximumf %add3A_148, %max3A_150 : vector<1024x128xf32>
    %get3A_152 = arith.constant 3 : index
    %get3A_153 = arith.constant 0 : index
    %get3A_154 = arith.constant 0 : index
    %get3A_155 = vector.load %arg5[%get3A_152, %get3A_153, %get3A_154] : memref<8x128x2xf32, #tpu.memory_space<vmem>>, vector<1x128x2xf32>
    %get3A_156 = vector.shape_cast %get3A_155 : vector<1x128x2xf32> to vector<128x2xf32>
    %dot_general3A_157 = arith.constant dense<0.000000e+00> : vector<1024x2xf32>
    %dot_general3A_158 = tpu.matmul %max3A_151, %get3A_156, %dot_general3A_157 {dimension_numbers = #tpu.dot_dimension_numbers<[1], [0], [0], [1], [0, 0, 1, 1], [], []>, transpose_lhs_hint = false} : vector<1024x128xf32>, vector<128x2xf32>, vector<1024x2xf32> -> vector<1024x2xf32>
    %get3A_159 = arith.constant 3 : index
    %get3A_160 = arith.constant 0 : index
    %get3A_161 = vector.load %arg6[%get3A_159, %get3A_160] : memref<8x2xf32, #tpu.memory_space<vmem>>, vector<1x2xf32>
    %get3A_162 = vector.shape_cast %get3A_161 : vector<1x2xf32> to vector<2xf32>
    %broadcast_in_dim3A_163 = vector.shape_cast %get3A_162 : vector<2xf32> to vector<1x2xf32>
    %add3A_164 = vector.broadcast %broadcast_in_dim3A_163 : vector<1x2xf32> to vector<1024x2xf32>
    %add3A_165 = arith.addf %dot_general3A_158, %add3A_164 : vector<1024x2xf32>
    %eq3A_166 = arith.constant 3 : i32
    %eq3A_167 = vector.broadcast %eq3A_166 : i32 to vector<1024x1xi32>
    %eq3A_168 = arith.cmpi eq, %get3A_25, %eq3A_167 : vector<1024x1xi32>
    %broadcast_in_dim3A_169 = vector.shape_cast %eq3A_168 : vector<1024x1xi1> to vector<1024x1xi1>
    %broadcast_in_dim3A_170 = vector.broadcast %broadcast_in_dim3A_169 : vector<1024x1xi1> to vector<1024x2xi1>
    %select_n3A_171 = arith.select %broadcast_in_dim3A_170, %add3A_165, %select_n3A_134 : vector<1024x2xi1>, vector<1024x2xf32>
    %get3A_172 = arith.constant 4 : index
    %get3A_173 = arith.constant 0 : index
    %get3A_174 = arith.constant 0 : index
    %get3A_175 = vector.load %arg3[%get3A_172, %get3A_173, %get3A_174] : memref<8x128x128xf32, #tpu.memory_space<vmem>>, vector<1x128x128xf32>
    %get3A_176 = vector.shape_cast %get3A_175 : vector<1x128x128xf32> to vector<128x128xf32>
    %dot_general3A_177 = arith.constant dense<0.000000e+00> : vector<1024x128xf32>
    %dot_general3A_178 = tpu.matmul %div3A_22, %get3A_176, %dot_general3A_177 {dimension_numbers = #tpu.dot_dimension_numbers<[1], [0], [0], [1], [0, 0, 1, 1], [], []>, transpose_lhs_hint = false} : vector<1024x128xf32>, vector<128x128xf32>, vector<1024x128xf32> -> vector<1024x128xf32>
    %get3A_179 = arith.constant 4 : index
    %get3A_180 = arith.constant 0 : index
    %get3A_181 = vector.load %arg4[%get3A_179, %get3A_180] : memref<8x128xf32, #tpu.memory_space<vmem>>, vector<1x128xf32>
    %get3A_182 = vector.shape_cast %get3A_181 : vector<1x128xf32> to vector<128xf32>
    %broadcast_in_dim3A_183 = vector.shape_cast %get3A_182 : vector<128xf32> to vector<1x128xf32>
    %add3A_184 = vector.broadcast %broadcast_in_dim3A_183 : vector<1x128xf32> to vector<1024x128xf32>
    %add3A_185 = arith.addf %dot_general3A_178, %add3A_184 : vector<1024x128xf32>
    %max3A_186 = arith.constant 0.000000e+00 : f32
    %max3A_187 = vector.broadcast %max3A_186 : f32 to vector<1024x128xf32>
    %max3A_188 = arith.maximumf %add3A_185, %max3A_187 : vector<1024x128xf32>
    %get3A_189 = arith.constant 4 : index
    %get3A_190 = arith.constant 0 : index
    %get3A_191 = arith.constant 0 : index
    %get3A_192 = vector.load %arg5[%get3A_189, %get3A_190, %get3A_191] : memref<8x128x2xf32, #tpu.memory_space<vmem>>, vector<1x128x2xf32>
    %get3A_193 = vector.shape_cast %get3A_192 : vector<1x128x2xf32> to vector<128x2xf32>
    %dot_general3A_194 = arith.constant dense<0.000000e+00> : vector<1024x2xf32>
    %dot_general3A_195 = tpu.matmul %max3A_188, %get3A_193, %dot_general3A_194 {dimension_numbers = #tpu.dot_dimension_numbers<[1], [0], [0], [1], [0, 0, 1, 1], [], []>, transpose_lhs_hint = false} : vector<1024x128xf32>, vector<128x2xf32>, vector<1024x2xf32> -> vector<1024x2xf32>
    %get3A_196 = arith.constant 4 : index
    %get3A_197 = arith.constant 0 : index
    %get3A_198 = vector.load %arg6[%get3A_196, %get3A_197] : memref<8x2xf32, #tpu.memory_space<vmem>>, vector<1x2xf32>
    %get3A_199 = vector.shape_cast %get3A_198 : vector<1x2xf32> to vector<2xf32>
    %broadcast_in_dim3A_200 = vector.shape_cast %get3A_199 : vector<2xf32> to vector<1x2xf32>
    %add3A_201 = vector.broadcast %broadcast_in_dim3A_200 : vector<1x2xf32> to vector<1024x2xf32>
    %add3A_202 = arith.addf %dot_general3A_195, %add3A_201 : vector<1024x2xf32>
    %eq3A_203 = arith.constant 4 : i32
    %eq3A_204 = vector.broadcast %eq3A_203 : i32 to vector<1024x1xi32>
    %eq3A_205 = arith.cmpi eq, %get3A_25, %eq3A_204 : vector<1024x1xi32>
    %broadcast_in_dim3A_206 = vector.shape_cast %eq3A_205 : vector<1024x1xi1> to vector<1024x1xi1>
    %broadcast_in_dim3A_207 = vector.broadcast %broadcast_in_dim3A_206 : vector<1024x1xi1> to vector<1024x2xi1>
    %select_n3A_208 = arith.select %broadcast_in_dim3A_207, %add3A_202, %select_n3A_171 : vector<1024x2xi1>, vector<1024x2xf32>
    %get3A_209 = arith.constant 5 : index
    %get3A_210 = arith.constant 0 : index
    %get3A_211 = arith.constant 0 : index
    %get3A_212 = vector.load %arg3[%get3A_209, %get3A_210, %get3A_211] : memref<8x128x128xf32, #tpu.memory_space<vmem>>, vector<1x128x128xf32>
    %get3A_213 = vector.shape_cast %get3A_212 : vector<1x128x128xf32> to vector<128x128xf32>
    %dot_general3A_214 = arith.constant dense<0.000000e+00> : vector<1024x128xf32>
    %dot_general3A_215 = tpu.matmul %div3A_22, %get3A_213, %dot_general3A_214 {dimension_numbers = #tpu.dot_dimension_numbers<[1], [0], [0], [1], [0, 0, 1, 1], [], []>, transpose_lhs_hint = false} : vector<1024x128xf32>, vector<128x128xf32>, vector<1024x128xf32> -> vector<1024x128xf32>
    %get3A_216 = arith.constant 5 : index
    %get3A_217 = arith.constant 0 : index
    %get3A_218 = vector.load %arg4[%get3A_216, %get3A_217] : memref<8x128xf32, #tpu.memory_space<vmem>>, vector<1x128xf32>
    %get3A_219 = vector.shape_cast %get3A_218 : vector<1x128xf32> to vector<128xf32>
    %broadcast_in_dim3A_220 = vector.shape_cast %get3A_219 : vector<128xf32> to vector<1x128xf32>
    %add3A_221 = vector.broadcast %broadcast_in_dim3A_220 : vector<1x128xf32> to vector<1024x128xf32>
    %add3A_222 = arith.addf %dot_general3A_215, %add3A_221 : vector<1024x128xf32>
    %max3A_223 = arith.constant 0.000000e+00 : f32
    %max3A_224 = vector.broadcast %max3A_223 : f32 to vector<1024x128xf32>
    %max3A_225 = arith.maximumf %add3A_222, %max3A_224 : vector<1024x128xf32>
    %get3A_226 = arith.constant 5 : index
    %get3A_227 = arith.constant 0 : index
    %get3A_228 = arith.constant 0 : index
    %get3A_229 = vector.load %arg5[%get3A_226, %get3A_227, %get3A_228] : memref<8x128x2xf32, #tpu.memory_space<vmem>>, vector<1x128x2xf32>
    %get3A_230 = vector.shape_cast %get3A_229 : vector<1x128x2xf32> to vector<128x2xf32>
    %dot_general3A_231 = arith.constant dense<0.000000e+00> : vector<1024x2xf32>
    %dot_general3A_232 = tpu.matmul %max3A_225, %get3A_230, %dot_general3A_231 {dimension_numbers = #tpu.dot_dimension_numbers<[1], [0], [0], [1], [0, 0, 1, 1], [], []>, transpose_lhs_hint = false} : vector<1024x128xf32>, vector<128x2xf32>, vector<1024x2xf32> -> vector<1024x2xf32>
    %get3A_233 = arith.constant 5 : index
    %get3A_234 = arith.constant 0 : index
    %get3A_235 = vector.load %arg6[%get3A_233, %get3A_234] : memref<8x2xf32, #tpu.memory_space<vmem>>, vector<1x2xf32>
    %get3A_236 = vector.shape_cast %get3A_235 : vector<1x2xf32> to vector<2xf32>
    %broadcast_in_dim3A_237 = vector.shape_cast %get3A_236 : vector<2xf32> to vector<1x2xf32>
    %add3A_238 = vector.broadcast %broadcast_in_dim3A_237 : vector<1x2xf32> to vector<1024x2xf32>
    %add3A_239 = arith.addf %dot_general3A_232, %add3A_238 : vector<1024x2xf32>
    %eq3A_240 = arith.constant 5 : i32
    %eq3A_241 = vector.broadcast %eq3A_240 : i32 to vector<1024x1xi32>
    %eq3A_242 = arith.cmpi eq, %get3A_25, %eq3A_241 : vector<1024x1xi32>
    %broadcast_in_dim3A_243 = vector.shape_cast %eq3A_242 : vector<1024x1xi1> to vector<1024x1xi1>
    %broadcast_in_dim3A_244 = vector.broadcast %broadcast_in_dim3A_243 : vector<1024x1xi1> to vector<1024x2xi1>
    %select_n3A_245 = arith.select %broadcast_in_dim3A_244, %add3A_239, %select_n3A_208 : vector<1024x2xi1>, vector<1024x2xf32>
    %get3A_246 = arith.constant 6 : index
    %get3A_247 = arith.constant 0 : index
    %get3A_248 = arith.constant 0 : index
    %get3A_249 = vector.load %arg3[%get3A_246, %get3A_247, %get3A_248] : memref<8x128x128xf32, #tpu.memory_space<vmem>>, vector<1x128x128xf32>
    %get3A_250 = vector.shape_cast %get3A_249 : vector<1x128x128xf32> to vector<128x128xf32>
    %dot_general3A_251 = arith.constant dense<0.000000e+00> : vector<1024x128xf32>
    %dot_general3A_252 = tpu.matmul %div3A_22, %get3A_250, %dot_general3A_251 {dimension_numbers = #tpu.dot_dimension_numbers<[1], [0], [0], [1], [0, 0, 1, 1], [], []>, transpose_lhs_hint = false} : vector<1024x128xf32>, vector<128x128xf32>, vector<1024x128xf32> -> vector<1024x128xf32>
    %get3A_253 = arith.constant 6 : index
    %get3A_254 = arith.constant 0 : index
    %get3A_255 = vector.load %arg4[%get3A_253, %get3A_254] : memref<8x128xf32, #tpu.memory_space<vmem>>, vector<1x128xf32>
    %get3A_256 = vector.shape_cast %get3A_255 : vector<1x128xf32> to vector<128xf32>
    %broadcast_in_dim3A_257 = vector.shape_cast %get3A_256 : vector<128xf32> to vector<1x128xf32>
    %add3A_258 = vector.broadcast %broadcast_in_dim3A_257 : vector<1x128xf32> to vector<1024x128xf32>
    %add3A_259 = arith.addf %dot_general3A_252, %add3A_258 : vector<1024x128xf32>
    %max3A_260 = arith.constant 0.000000e+00 : f32
    %max3A_261 = vector.broadcast %max3A_260 : f32 to vector<1024x128xf32>
    %max3A_262 = arith.maximumf %add3A_259, %max3A_261 : vector<1024x128xf32>
    %get3A_263 = arith.constant 6 : index
    %get3A_264 = arith.constant 0 : index
    %get3A_265 = arith.constant 0 : index
    %get3A_266 = vector.load %arg5[%get3A_263, %get3A_264, %get3A_265] : memref<8x128x2xf32, #tpu.memory_space<vmem>>, vector<1x128x2xf32>
    %get3A_267 = vector.shape_cast %get3A_266 : vector<1x128x2xf32> to vector<128x2xf32>
    %dot_general3A_268 = arith.constant dense<0.000000e+00> : vector<1024x2xf32>
    %dot_general3A_269 = tpu.matmul %max3A_262, %get3A_267, %dot_general3A_268 {dimension_numbers = #tpu.dot_dimension_numbers<[1], [0], [0], [1], [0, 0, 1, 1], [], []>, transpose_lhs_hint = false} : vector<1024x128xf32>, vector<128x2xf32>, vector<1024x2xf32> -> vector<1024x2xf32>
    %get3A_270 = arith.constant 6 : index
    %get3A_271 = arith.constant 0 : index
    %get3A_272 = vector.load %arg6[%get3A_270, %get3A_271] : memref<8x2xf32, #tpu.memory_space<vmem>>, vector<1x2xf32>
    %get3A_273 = vector.shape_cast %get3A_272 : vector<1x2xf32> to vector<2xf32>
    %broadcast_in_dim3A_274 = vector.shape_cast %get3A_273 : vector<2xf32> to vector<1x2xf32>
    %add3A_275 = vector.broadcast %broadcast_in_dim3A_274 : vector<1x2xf32> to vector<1024x2xf32>
    %add3A_276 = arith.addf %dot_general3A_269, %add3A_275 : vector<1024x2xf32>
    %eq3A_277 = arith.constant 6 : i32
    %eq3A_278 = vector.broadcast %eq3A_277 : i32 to vector<1024x1xi32>
    %eq3A_279 = arith.cmpi eq, %get3A_25, %eq3A_278 : vector<1024x1xi32>
    %broadcast_in_dim3A_280 = vector.shape_cast %eq3A_279 : vector<1024x1xi1> to vector<1024x1xi1>
    %broadcast_in_dim3A_281 = vector.broadcast %broadcast_in_dim3A_280 : vector<1024x1xi1> to vector<1024x2xi1>
    %select_n3A_282 = arith.select %broadcast_in_dim3A_281, %add3A_276, %select_n3A_245 : vector<1024x2xi1>, vector<1024x2xf32>
    %get3A_283 = arith.constant 7 : index
    %get3A_284 = arith.constant 0 : index
    %get3A_285 = arith.constant 0 : index
    %get3A_286 = vector.load %arg3[%get3A_283, %get3A_284, %get3A_285] : memref<8x128x128xf32, #tpu.memory_space<vmem>>, vector<1x128x128xf32>
    %get3A_287 = vector.shape_cast %get3A_286 : vector<1x128x128xf32> to vector<128x128xf32>
    %dot_general3A_288 = arith.constant dense<0.000000e+00> : vector<1024x128xf32>
    %dot_general3A_289 = tpu.matmul %div3A_22, %get3A_287, %dot_general3A_288 {dimension_numbers = #tpu.dot_dimension_numbers<[1], [0], [0], [1], [0, 0, 1, 1], [], []>, transpose_lhs_hint = false} : vector<1024x128xf32>, vector<128x128xf32>, vector<1024x128xf32> -> vector<1024x128xf32>
    %get3A_290 = arith.constant 7 : index
    %get3A_291 = arith.constant 0 : index
    %get3A_292 = vector.load %arg4[%get3A_290, %get3A_291] : memref<8x128xf32, #tpu.memory_space<vmem>>, vector<1x128xf32>
    %get3A_293 = vector.shape_cast %get3A_292 : vector<1x128xf32> to vector<128xf32>
    %broadcast_in_dim3A_294 = vector.shape_cast %get3A_293 : vector<128xf32> to vector<1x128xf32>
    %add3A_295 = vector.broadcast %broadcast_in_dim3A_294 : vector<1x128xf32> to vector<1024x128xf32>
    %add3A_296 = arith.addf %dot_general3A_289, %add3A_295 : vector<1024x128xf32>
    %max3A_297 = arith.constant 0.000000e+00 : f32
    %max3A_298 = vector.broadcast %max3A_297 : f32 to vector<1024x128xf32>
    %max3A_299 = arith.maximumf %add3A_296, %max3A_298 : vector<1024x128xf32>
    %get3A_300 = arith.constant 7 : index
    %get3A_301 = arith.constant 0 : index
    %get3A_302 = arith.constant 0 : index
    %get3A_303 = vector.load %arg5[%get3A_300, %get3A_301, %get3A_302] : memref<8x128x2xf32, #tpu.memory_space<vmem>>, vector<1x128x2xf32>
    %get3A_304 = vector.shape_cast %get3A_303 : vector<1x128x2xf32> to vector<128x2xf32>
    %dot_general3A_305 = arith.constant dense<0.000000e+00> : vector<1024x2xf32>
    %dot_general3A_306 = tpu.matmul %max3A_299, %get3A_304, %dot_general3A_305 {dimension_numbers = #tpu.dot_dimension_numbers<[1], [0], [0], [1], [0, 0, 1, 1], [], []>, transpose_lhs_hint = false} : vector<1024x128xf32>, vector<128x2xf32>, vector<1024x2xf32> -> vector<1024x2xf32>
    %get3A_307 = arith.constant 7 : index
    %get3A_308 = arith.constant 0 : index
    %get3A_309 = vector.load %arg6[%get3A_307, %get3A_308] : memref<8x2xf32, #tpu.memory_space<vmem>>, vector<1x2xf32>
    %get3A_310 = vector.shape_cast %get3A_309 : vector<1x2xf32> to vector<2xf32>
    %broadcast_in_dim3A_311 = vector.shape_cast %get3A_310 : vector<2xf32> to vector<1x2xf32>
    %add3A_312 = vector.broadcast %broadcast_in_dim3A_311 : vector<1x2xf32> to vector<1024x2xf32>
    %add3A_313 = arith.addf %dot_general3A_306, %add3A_312 : vector<1024x2xf32>
    %eq3A_314 = arith.constant 7 : i32
    %eq3A_315 = vector.broadcast %eq3A_314 : i32 to vector<1024x1xi32>
    %eq3A_316 = arith.cmpi eq, %get3A_25, %eq3A_315 : vector<1024x1xi32>
    %broadcast_in_dim3A_317 = vector.shape_cast %eq3A_316 : vector<1024x1xi1> to vector<1024x1xi1>
    %broadcast_in_dim3A_318 = vector.broadcast %broadcast_in_dim3A_317 : vector<1024x1xi1> to vector<1024x2xi1>
    %select_n3A_319 = arith.select %broadcast_in_dim3A_318, %add3A_313, %select_n3A_282 : vector<1024x2xi1>, vector<1024x2xf32>
    %slice3A = vector.extract_strided_slice %select_n3A_319 {offsets = [0, 0], sizes = [1024, 1], strides = [1, 1]} : vector<1024x2xf32> to vector<1024x1xf32>
    %swap3A = arith.constant 0 : index
    %swap3A_320 = arith.constant 0 : index
    %swap3A_321 = vector.load %arg7[%swap3A, %swap3A_320] : memref<1024x1xf32, #tpu.memory_space<vmem>>, vector<1024x1xf32>
    tpu.vector_store %arg7[%swap3A, %swap3A_320], %slice3A {strides = array<i32>} : memref<1024x1xf32, #tpu.memory_space<vmem>>, vector<1024x1xf32>,
    %slice3A_322 = vector.extract_strided_slice %select_n3A_319 {offsets = [0, 1], sizes = [1024, 1], strides = [1, 1]} : vector<1024x2xf32> to vector<1024x1xf32>
    %integer_pow3A = arith.mulf %slice3A_322, %slice3A_322 : vector<1024x1xf32>
    %swap3A_323 = arith.constant 0 : index
    %swap3A_324 = arith.constant 0 : index
    %swap3A_325 = vector.load %arg8[%swap3A_323, %swap3A_324] : memref<1024x1xf32, #tpu.memory_space<vmem>>, vector<1024x1xf32>
    tpu.vector_store %arg8[%swap3A_323, %swap3A_324], %integer_pow3A {strides = array<i32>} : memref<1024x1xf32, #tpu.memory_space<vmem>>, vector<1024x1xf32>,
    return
  }
}

</mosaic_0001>

<sc_bundles>
// kernel: kernel.4.cloned.1.call-start
scs
__scs_entry_jumppad:
0x0: {  	(pc) =	sbr.rel $0x88, $3  }
0x1: {  	(tag) =	ssettag $0x0;
	lr =	simm.s32 $0x1  }
0x2: {  	[smem:$0x3F9A] =	sst lr;
	_ =	strace $0xD0000000  }
0x3: {  	_ = 	snop  }
0x4: {  	_ = 	snop  }
0x5: {  	_ = 	snop  }
0x6: {  	_ = 	snop  }
0x7: {  	_ = 	snop  }
__scs_overlays_trampoline_lowered:
0x8: {  	[smem:$0x3FA9] =	sst s0  }
0x9: {  	[smem:$0x3FAA] =	sst s1  }
0xa: {  	[smem:$0x3FAB] =	sst s2  }
0xb: {  	[smem:$0x3FAC] =	sst s3  }
0xc: {  	[smem:$0x3FAD] =	sst s4  }
0xd: {  	[smem:$0x3FAE] =	sst s5  }
0xe: {  	[smem:$0x3FAF] =	sst s6  }
0xf: {  	[smem:$0x3FB0] =	sst s7  }
0x10: {  	[smem:$0x3FB1] =	sst s8  }
0x11: {  	[smem:$0x3FB2] =	sst s9;
	s0 =	simm.s32 @!p0 $0x0  }
0x12: {  	s1 =	sld [smem:$0x3F98];
	s0 =	simm.s32 @p0 $0x1  }
0x13: {  	[smem:$0x3FB3] =	sst s0;
	s0 =	simm.s32 @!p1 $0x0  }
0x14: {  	s2 =	sld [smem:$0x3F97];
	s0 =	simm.s32 @p1 $0x1  }
0x15: {  	[smem:$0x3FB4] =	sst s0;
	s0 =	simm.s32 @!p2 $0x0  }
0x16: {  	s3 =	sld [smem:$0x3FDB];
	s0 =	simm.s32 @p2 $0x1  }
0x17: {  	s4 =	simm.s32 $0x1BF5;
	[smem:$0x3FB6] =	sst s0  }
0x18: {  	s0 =	sld [smem:$0x3F99];
	_ =	swait.ge [sflag:s4], $0x0  }
0x19: {  	s7 =	sld [smem:$0x3F9A]  }
0x1a: {  	s8 =	sadd.s32 $0xFFFFE003, lr  }
0x1b: {  	s9 =	sadd.s32 $0xFFFFFEF7, lr;
	s5 =	simm.s32 $0xFFFFFFFF;
	p2 =	slt.u32 s8, $0xFFFFF086  }
0x1c: {  	p1 =	slt.u32 s9, $0xF7A;
	s5 =	simm.s32 @!p2 $0x0  }
0x1d: {  	s5 =	simm.s32 @p1 $0x1;
	p0 =	seq.s32 s7, s2  }
0x1e: {  	s7 =	smul.u32 @!p0 $0xF7A, s2;
	p2 =	seq.s32 @!p0 s5, $0x0  }
0x1f: {  	s9 =	smul.u32 $0xF7A, s1;
	s8 =	simm.s32 @!p0 $0x1BF5;
	p2 =	por !p2, p0  }
0x20: {  	[sflag:s8] =	ssyncset.s32 @!p0 $0xFFFFF086;
	s6 =	sadd.s32 @!p0 s3, s7;
	s7 =	simm.s32 @!p0 $0x108  }
0x21: {  	s3 =	sadd.s32 s3, s9;
	s6 =	sadd.s32 @!p0 $0x88, s6;
	s7 =	simm.s32 @p2 $0x1082  }
0x22: {  	[simem:s7], [sflag:s8] =	dma.local @!p0 [hbm:s6], $0xF7A  }
0x23: {  	s9 =	sor.u32 $0xD0000000, s2;
	s6 =	simm.s32 $0x108;
	_ =	swait.ge @!p0 [sflag:s8], $0x0  }
0x24: {  	s3 =	sadd.s32 $0x88, s3;
	s6 =	simm.s32 @!p1 $0x1082;
	[sflag:s4] =	ssyncset.s32 $0xFFFFF086  }
0x25: {  	[simem:s6], [sflag:s4] =	dma.local [hbm:s3], $0xF7A  }
0x26: {  	[smem:$0x3F9A] =	sst s1;
	(tag) =	ssettag s2;
	_ =	strace s9  }
0x27: {  	s1 =	sld [smem:$0x3FAA]  }
0x28: {  	s2 =	sld [smem:$0x3FAB]  }
0x29: {  	s4 =	sld [smem:$0x3FAD]  }
0x2a: {  	p0 =	seq.s32 s5, $0x0;
	s5 =	sld [smem:$0x3FAE]  }
0x2b: {  	s6 =	sld [smem:$0x3FAF]  }
0x2c: {  	s7 =	sld [smem:$0x3FB0]  }
0x2d: {  	s3 =	simm.s32 $0x108;
	s8 =	sld [smem:$0x3FB1]  }
0x2e: {  	s3 =	simm.s32 @!p0 $0x1082;
	s9 =	sld [smem:$0x3FB2]  }
0x2f: {  	lr =	sadd.s32 s0, s3;
	s0 =	sld [smem:$0x3FA9]  }
0x30: {  	s3 =	sld [smem:$0x3FAC]  }
0x31: {  	[smem:$0x3FB5] =	sst s10  }
0x32: {  	s10 =	sld [smem:$0x3FB3];
	_ =	sdelay $0x3  }
0x33: {  	p0 =	seq.s32 s10, $0x1;
	s10 =	sld [smem:$0x3FB5];
	_ =	sdelay $0x3  }
0x34: {  	[smem:$0x3FB5] =	sst s10  }
0x35: {  	s10 =	sld [smem:$0x3FB4];
	_ =	sdelay $0x3  }
0x36: {  	p1 =	seq.s32 s10, $0x1;
	s10 =	sld [smem:$0x3FB5];
	_ =	sdelay $0x3  }
0x37: {  	[smem:$0x3FB5] =	sst s10  }
0x38: {  	s10 =	sld [smem:$0x3FB6]  }
0x39: {  	_ = 	snop;
	(pc) =	sbr.ind lr, $3  }
0x3a: {  	_ = 	snop  }
0x3b: {  	_ = 	snop  }
0x3c: {  	p2 =	seq.s32 s10, $0x1;
	s10 =	sld [smem:$0x3FB5]  }
0x3d: {  	_ =	shalt  }
0x3e: {  	_ =	shalt  }
0x3f: {  	_ =	shalt  }
0x40: {  	_ =	shalt  }
0x41: {  	_ =	shalt  }
0x42: {  	_ =	shalt  }
0x43: {  	_ =	shalt  }
0x44: {  	_ =	shalt  }
0x45: {  	_ =	shalt  }
0x46: {  	_ =	shalt  }
0x47: {  	_ =	shalt  }
0x48: {  	_ =	shalt  }
0x49: {  	_ =	shalt  }
0x4a: {  	_ =	shalt  }
0x4b: {  	_ =	shalt  }
0x4c: {  	_ =	shalt  }
0x4d: {  	_ =	shalt  }
0x4e: {  	_ =	shalt  }
0x4f: {  	_ =	shalt  }
0x50: {  	_ =	shalt  }
0x51: {  	_ =	shalt  }
0x52: {  	_ =	shalt  }
0x53: {  	_ =	shalt  }
0x54: {  	_ =	shalt  }
0x55: {  	_ =	shalt  }
0x56: {  	_ =	shalt  }
0x57: {  	_ =	shalt  }
0x58: {  	_ =	shalt  }
0x59: {  	_ =	shalt  }
0x5a: {  	_ =	shalt  }
0x5b: {  	_ =	shalt  }
0x5c: {  	_ =	shalt  }
0x5d: {  	_ =	shalt  }
0x5e: {  	_ =	shalt  }
0x5f: {  	_ =	shalt  }
0x60: {  	_ =	shalt  }
0x61: {  	_ =	shalt  }
0x62: {  	_ =	shalt  }
0x63: {  	_ =	shalt  }
0x64: {  	_ =	shalt  }
0x65: {  	_ =	shalt  }
0x66: {  	_ =	shalt  }
0x67: {  	_ =	shalt  }
0x68: {  	_ =	shalt  }
0x69: {  	_ =	shalt  }
0x6a: {  	_ =	shalt  }
0x6b: {  	_ =	shalt  }
0x6c: {  	_ =	shalt  }
0x6d: {  	_ =	shalt  }
0x6e: {  	_ =	shalt  }
0x6f: {  	_ =	shalt  }
0x70: {  	_ =	shalt  }
0x71: {  	_ =	shalt  }
0x72: {  	_ =	shalt  }
0x73: {  	_ =	shalt  }
0x74: {  	_ =	shalt  }
0x75: {  	_ =	shalt  }
0x76: {  	_ =	shalt  }
0x77: {  	_ =	shalt  }
0x78: {  	_ =	shalt  }
0x79: {  	_ =	shalt  }
0x7a: {  	_ =	shalt  }
0x7b: {  	_ =	shalt  }
0x7c: {  	_ =	shalt  }
0x7d: {  	_ =	shalt  }
0x7e: {  	_ =	shalt  }
0x7f: {  	_ =	shalt  }
0x80: {  	_ =	shalt  }
0x81: {  	_ =	shalt  }
0x82: {  	_ =	shalt  }
0x83: {  	_ =	shalt  }
0x84: {  	_ =	shalt  }
0x85: {  	_ =	shalt  }
0x86: {  	_ =	shalt  }
0x87: {  	_ =	shalt  }
.Lfunc_end0:
.L_simem_size_0:
called_computation_lowered:
.L_overlay_start_0:
0x88: {  	s2 =	sld [smem:$0x3FD9]  }
0x89: {  	s3 =	sld [smem:$0x3FFE];
	_ =	sdelay $0x1  }
0x8a: {  	s1 =	srdreg.scid  }
0x8b: {  	s0 =	sand.u32 $0x1, s1  }
0x8c: {  	s17 =	sshll.u32 s0, $0xA;
	s2 =	sadd.s32 s3, s2  }
0x8d: {  	s2 =	sadd.s32 s2, s17  }
0x8e: {  	[smem:$0x3FC1] =	sst s2  }
0x8f: {  	_ = 	snop  }
0x90: {  	s2 =	sld [smem:$0x3FC9]  }
0x91: {  	s18 =	sld [smem:$0x3FC8];
	(tm) =	ssettm $0x1  }
0x92: {  	s4 =	sld [smem:$0x3FFB];
	_ =	sdelay $0x3  }
0x93: {  	_ =	strace s4  }
0x94: {  	s4 =	sld [smem:$0x3FFC];
	_ =	sdelay $0x3  }
0x95: {  	_ =	strace s4  }
0x96: {  	s4 =	sld [smem:$0x3FFD];
	_ =	sdelay $0x3  }
0x97: {  	_ =	strace s4  }
0x98: {  	_ =	strace $0x8FFFFFFF  }
0x99: {  	s19 =	sld [smem:$0x3FDB];
	_ =	sdelay $0x1  }
0x9a: {  	s5 =	simm.s32 $_scs_section_size  }
0x9b: {  	s6 =	simm.s32 $_size__tile_overlayer_lowered;
	s7 =	simm.s32 $_tile_overlayer_lowered  }
0x9c: {  	s22 =	simm.s32 $0x1BFF;
	s21 =	sshll.u32 s7, $0x1;
	s4 =	sadd.s32 s5, s19  }
0x9d: {  	s8 =	simm.s32 $0x0;
	s20 =	sshll.u32 s6, $0x1;
	s6 =	sadd.s32 s21, s4  }
0x9e: {  	[timem:s8], [sflag:s22] =	dma.local [hbm:s6], s20  }
0x9f: {  	_ =	swait.ge [sflag:s22], s20  }
0xa0: {  	s5 =	ssub.s32 $0x0, s20;
	[sflag:s22] =	ssyncset.done $0x0  }
0xa1: {  	[sflag:s22] =	ssyncadd.s32 s5;
	_ =	sdelay $0x1  }
0xa2: {  	s23 =	simm.s32 $0x1B8B  }
0xa3: {  	_ =	swait.ge [sflag:s23], $0x1  }
0xa4: {  	[sflag:s23] =	ssyncset.done $0x0  }
0xa5: {  	s25 =	simm.s32 $0x1B8E;
	s24 =	sld [smem:$0x3FFE];
	[sflag:s23] =	ssyncadd.s32 $0xFFFFFFFF  }
0xa6: {  	s26 =	simm.s32 $execute0_lowered;
	[smem:$0x3FD2] =	sst s25  }
0xa7: {  	s6 =	sshll.u32 s26, $0x1;
	_ =	strace $0x80000046;
	[dreg:$0x1] =	wrdreg $0xFFFFFFFF  }
0xa8: {  	s28 =	simm.s32 $_size_execute0_lowered;
	s4 =	sadd.s32 s4, s6;
	[dreg:$0x0] =	wrdreg $0x0  }
0xa9: {  	s6 =	sshll.u32 s28, $0x1;
	[dreg:$0x2] =	wrdreg s4  }
0xaa: {  	[dreg:$0x3] =	wrdreg s6  }
0xab: {  	[dreg:$0x4] =	wrdreg $0xC0  }
0xac: {  	_ =	task [dreg:s8], $0x5FFFF  }
0xad: {  	[dreg:$0x1] =	wrdreg $0xFFFFFFFF  }
0xae: {  	[dreg:$0x0] =	wrdreg $0x60  }
0xaf: {  	[dreg:$0x2] =	wrdreg s2  }
0xb0: {  	[dreg:$0x3] =	wrdreg s18  }
0xb1: {  	[dreg:$0x4] =	wrdreg s24  }
0xb2: {  	[dreg:$0x5] =	wrdreg $0x1B3000  }
0xb3: {  	[dreg:$0x6] =	wrdreg $0x1D3000  }
0xb4: {  	[dreg:$0x7] =	wrdreg $0x9  }
0xb5: {  	_ =	task.clear_ibuf [dreg:s8], $0x8FFFF;
	_ =	strace $0x90000046  }
0xb6: {  	s29 =	simm.s32 $0x9;
	_ =	strace $0x80000048  }
0xb7: {  	_ =	swait.ge [sflag:s29], $0x1  }
0xb8: {  	[sflag:s29] =	ssyncadd.s32 $0xFFFFFFFF  }
0xb9: {  	_ =	strace $0x90000048  }
0xba: {  	_ =	sfence  }
0xbb: {  	s30 =	sld [smem:$0x0];
	_ =	sdelay $0x2  }
0xbc: {  	s31 =	sshll.u32 s1, $0xD;
	s1 =	sshrl.u32 s1, $0x2  }
0xbd: {  	s3 =	sand.u32 $0x4000, s31;
	s1 =	sadd.s32 s1, s30  }
0xbe: {  	s0 =	sor.u32 s3, s0;
	s1 =	sshll.u32 s1, $0x11  }
0xbf: {  	s0 =	sor.u32 s1, s0  }
0xc0: {  	s0 =	sadd.s32 $0x8F2B, s0  }
0xc1: {  	[sflag:s0] =	ssyncadd.remote.s32 $0x1  }
0xc2: {  	_ =	sfence.sel $0xFFFF  }
0xc3: {  	[dreg:$0x0] =	wrdreg $0xFFFFFFFF;
	(pc) =	sbr.abs _section_cstart, $3  }
0xc4: {  	[dreg:$0x1] =	wrdreg $0xFFFFFFFF  }
0xc5: {  	_ =	task.clear_ibuf [dreg:s8], $0x2FFFF;
	_ =	strace $0x9FFFFFFF  }
0xc6: {  	(tm) =	ssettm $0x7FFFFFFF  }
0xc7: {  	_ =	shalt  }
tec
execute0_lowered:
.L_overlay_start_1:
0x0: {  	(tag) =	ssettag $0x1  }
0x1: {  	s0 =	rddreg [dreg:$0x0]  }
0x2: {  	s1 =	rddreg [dreg:$0x1]  }
0x3: {  	s6 =	rddreg [dreg:$0x2]  }
0x4: {  	s2 =	rddreg [dreg:$0x3]  }
0x5: {  	s4 =	rddreg [dreg:$0x4]  }
0x6: {  	s7 =	srdreg.scid;
	s5 =	simm.s32 $0x0;
	s3 =	stileid.u32  }
0x7: {  	s19 =	sand.u32 $0x1, s7;
	[smem:$0x7FF] =	sst s5;
	s20 =	sshll.u32 s3, $0xD  }
0x8: {  	s10 =	sshll.u32 s3, $0x1;
	s11 =	sadd.s32 $0x10, s1;
	s16 =	sadd.s32 $0x186800, s0  }
0x9: {  	s29 =	sshll.u32 s3, $0x9;
	s7 =	sshll.u32 s19, $0x11;
	_ =	strace $0x80000047  }
0xa: {  	s8 =	ssub.s32 $0x2, s19;
	s24 =	sor.u32 s19, s10;
	s28 =	sshll.u32 s19, $0xC  }
0xb: {  	s23 =	sshll.u32 s19, $0x8;
	s7 =	sor.u32 s20, s7;
	s9 =	sshrl.u32 s8, $0x1  }
0xc: {  	s13 =	ssub.s32 $0x1A5, s24;
	s26 =	sshll.u32 s24, $0xC;
	s12 =	sshll.u32 s24, $0x5  }
0xd: {  	s31 =	sor.u32 s23, s29;
	s23 =	simm.s32 $0x7;
	p2 =	sne.s32 s24, $0x1F  }
0xe: {  	s7 =	sshrl.u32 s7, $0x3;
	s21 =	ssub.s32 s8, s9;
	s8 =	sshrl.u32 s13, $0x5  }
0xf: {  	s9 =	sadd.s32 s0, s26;
	s10 =	sadd.s32 s1, s12;
	s12 =	sadd.s32 s12, s11  }
0x10: {  	s25 =	sand.u32 $0x20, s13;
	s13 =	sadd.s32 $0x30C0, s1;
	s18 =	sadd.s32 s7, s6  }
0x11: {  	s6 =	sadd.s32 s20, s2;
	s7 =	sadd.s32 s20, s4;
	[dreg:$0x8] =	wrdreg s9  }
0x12: {  	s14 =	sadd.s32 $0xFFFFFFFF, s8;
	s15 =	sand.u32 $0x1, s8;
	s22 =	sadd.s32 $0x1, s8  }
0x13: {  	s19 =	smax.u32 s21, $0x1;
	s21 =	sor.u32 $0x4000, s31;
	p1 =	sne.s32 s25, $0x0  }
0x14: {  	[dreg:$0x6] =	wrdreg s14;
	p0 =	seq.s32 s15, $0x1;
	s14 =	sadd.s32 $0x186000, s0  }
0x15: {  	s15 =	sadd.s32 $0x30D0, s1;
	s17 =	sadd.s32 $0x1800, s18;
	s0 =	sadd.s32 s20, s0  }
0x16: {  	s18 =	sadd.s32 $0x9800, s18;
	s30 =	sand.u32 $0xE, s22;
	s0 =	sadd.s32 s28, s0  }
0x17: {  	v0 =	vimm.f32 $1.000000000e+00;
	s22 =	simm.s32 $0x14200;
	[dreg:$0x7] =	wrdreg s30;
	s20 =	sadd.s32 $0x40000, s0  }
.LBB2_1:
0x18: {  	s0 =	simm.s32 $0x10240  }
0x19: {  	[tilespmem:s0+$0xFFFFFFC0] =	vst v0  }
0x1a: {  	[tilespmem:s0+$0xFFFFFFD0] =	vst v0  }
0x1b: {  	[tilespmem:s0+$0xFFFFFFE0] =	vst v0  }
0x1c: {  	[tilespmem:s0+$0xFFFFFFF0] =	vst v0  }
0x1d: {  	[tilespmem:s0+$0x0] =	vst v0  }
0x1e: {  	[tilespmem:s0+$0x10] =	vst v0  }
0x1f: {  	p3 =	por $0x0, $0x0;
	[tilespmem:s0+$0x20] =	vst v0  }
0x20: {  	s26 =	simm.s32 $0x14240;
	[tilespmem:s0+$0x30] =	vst v0;
	v1 =	vimm.f32 @!p3 $0.0e+00  }
0x21: {  	[tilespmem:s26+$0x30] =	vst @!p3 v1  }
0x22: {  	[tilespmem:s26+$0xFFFFFFC0] =	vst @!p3 v1  }
0x23: {  	[tilespmem:s26+$0xFFFFFFD0] =	vst @!p3 v1  }
0x24: {  	[tilespmem:s26+$0xFFFFFFE0] =	vst @!p3 v1  }
0x25: {  	[tilespmem:s26+$0xFFFFFFF0] =	vst @!p3 v1  }
0x26: {  	[tilespmem:s26+$0x0] =	vst @!p3 v1  }
0x27: {  	[tilespmem:s26+$0x10] =	vst @!p3 v1  }
0x28: {  	s28 =	simm.s32 $0x1;
	s29 =	simm.s32 $0x102C0;
	[tilespmem:s26+$0x20] =	vst @!p3 v1  }
.LBB2_2:
0x29: {  	[tilespmem:s29+$0xFFFFFFC0] =	vst v0  }
0x2a: {  	[tilespmem:s29+$0xFFFFFFD0] =	vst v0  }
0x2b: {  	[tilespmem:s29+$0xFFFFFFE0] =	vst v0  }
0x2c: {  	[tilespmem:s29+$0xFFFFFFF0] =	vst v0  }
0x2d: {  	[tilespmem:s29+$0x0] =	vst v0  }
0x2e: {  	[tilespmem:s29+$0x10] =	vst v0  }
0x2f: {  	p3 =	sgt.u32 s28, $0x3F;
	s28 =	sadd.s32 $0x1, s28;
	[tilespmem:s29+$0x20] =	vst v0  }
0x30: {  	s26 =	sadd.s32 $0x80, s26;
	v1 =	vimm.f32 @!p3 $0.0e+00;
	p4 =	sne.s32 s28, $0x80;
	[tilespmem:s29+$0x30] =	vst v0  }
0x31: {  	[tilespmem:s26+$0x30] =	vst @!p3 v1  }
0x32: {  	[tilespmem:s26+$0xFFFFFFC0] =	vst @!p3 v1  }
0x33: {  	[tilespmem:s26+$0xFFFFFFD0] =	vst @!p3 v1  }
.Ltmp0:
0x34: {  	[tilespmem:s26+$0xFFFFFFE0] =	vst @!p3 v1;
	(pc) =	sbr.rel @p4 .LBB2_2-.Ltmp0, $4  }
0x35: {  	[tilespmem:s26+$0xFFFFFFF0] =	vst @!p3 v1  }
0x36: {  	[tilespmem:s26+$0x0] =	vst @!p3 v1  }
0x37: {  	[tilespmem:s26+$0x10] =	vst @!p3 v1  }
0x38: {  	s29 =	sadd.s32 $0x80, s29;
	[tilespmem:s26+$0x20] =	vst @!p3 v1  }
0x39: {  	[spmem:s6] =	stream.linear.scatter [tilespmem:s22], [sflag:$0x7], $0x2000, $0x38;
	[tilespmem:$0x1F300] =	vst v63  }
0x3a: {  	_ =	swait.ge [sflag:s23], $0x2000  }
0x3b: {  	[sflag:s23] =	ssyncset.done $0x0  }
0x3c: {  	[sflag:s23] =	ssyncadd.s32 $0xFFFFE000  }
0x3d: {  	[spmem:s7] =	stream.linear.scatter [tilespmem:s22], [sflag:$0x7], $0x2000, $0x38;
	[tilespmem:$0x1F300] =	vst v63  }
0x3e: {  	_ =	swait.ge [sflag:s23], $0x2000  }
0x3f: {  	[sflag:s23] =	ssyncset.done $0x0  }
0x40: {  	[sflag:s23] =	ssyncadd.s32 $0xFFFFE000  }
0x41: {  	[bflag:$0x0] =	sbarrier.arrive $0xFFFF  }
0x42: {  	s0 =	simm.s32 $0x0;
	p4 =	sle.u32 s8, $0x0;
	s3 =	rddreg [dreg:$0x8]  }
0x43: {  	[tilespmem:s0], [sflag:$0x1] =	stream.linear.gather [hbm4b:s3+s0], $0x8000, $0x38;
	[tilespmem:$0x1F300] =	vst v63  }
0x44: {  	s25 =	simm.s32 $0x10000;
	p3 =	por @!p4 $0x1, $0x1  }
0x45: {  	[tilespmem:s25], [sflag:$0x3] =	stream.linear.gather [hbm4b:s10+s0], $0x80, $0x38;
	[tilespmem:$0x1F300] =	vst v63  }
0x46: {  	s26 =	simm.s32 $0x10080;
	p3 =	por p3, p4  }
0x47: {  	[tilespmem:s26], [sflag:$0x3] =	stream.linear.gather [hbm4b:s12+s0], $0x80, $0x38;
	[tilespmem:$0x1F300] =	vst v63  }
0x48: {  	s0 =	simm.s32 @!p3 $0x6  }
0x49: {  	_ =	swait.ge @!p3 [sflag:s0], $0x4000  }
0x4a: {  	[sflag:s0] =	ssyncset.done @!p3 $0x0  }
0x4b: {  	[sflag:s0] =	ssyncadd.s32 @!p3 $0xFFFFC000  }
0x4c: {  	_ =	swait.ge @!p3 [sflag:s0], $0x4000  }
0x4d: {  	[sflag:s0] =	ssyncset.done @!p3 $0x0  }
0x4e: {  	[sflag:s0] =	ssyncadd.s32 @!p3 $0xFFFFC000  }
0x4f: {  	_ =	swait.ge @!p3 [sflag:s0], $0x4000  }
0x50: {  	[sflag:s0] =	ssyncset.done @!p3 $0x0  }
0x51: {  	[sflag:s0] =	ssyncadd.s32 @!p3 $0xFFFFC000  }
0x52: {  	p5 =	sle.u32 @!p4 s8, $0x1;
	_ =	swait.ge @!p3 [sflag:s0], $0x4000  }
0x53: {  	p5 =	por p5, p4;
	[sflag:s0] =	ssyncset.done @!p3 $0x0  }
0x54: {  	s24 =	sadd.s32 @!p5 $0xFFFE0000, s20;
	[sflag:s0] =	ssyncadd.s32 @!p3 $0xFFFFC000;
	s0 =	sadd.s32 @!p5 $0xFFFFE000, s21  }
0x55: {  	s28 =	simm.s32 @!p5 $0x8000;
	s26 =	simm.s32 @!p5 $0x0;
	s0 =	sshrl.u32 @!p5 s0, $0x3  }
0x56: {  	[tilespmem:s28], [sflag:$0x2] =	stream.linear.gather @!p5 [hbm4b:s24+s26], $0x8000, $0x38;
	[tilespmem:$0x1F300] =	vst v63  }
0x57: {  	s28 =	simm.s32 @!p5 $0x10100;
	s24 =	sadd.s32 @!p5 s1, s0  }
0x58: {  	[tilespmem:s28], [sflag:$0x4] =	stream.linear.gather @!p5 [hbm4b:s24+s26], $0x80, $0x38;
	[tilespmem:$0x1F300] =	vst v63  }
0x59: {  	s0 =	sadd.s32 @!p5 s0, s11;
	s24 =	simm.s32 @!p5 $0x10180;
	s28 =	simm.s32 @!p4 $0x1  }
0x5a: {  	[tilespmem:s24], [sflag:$0x4] =	stream.linear.gather @!p5 [hbm4b:s0+s26], $0x80, $0x38;
	[tilespmem:$0x1F300] =	vst v63  }
0x5b: {  	_ =	swait.ge @!p4 [sflag:s28], $0x8000  }
0x5c: {  	[sflag:s28] =	ssyncset.done @!p4 $0x0  }
0x5d: {  	s0 =	simm.s32 @!p4 $0x3;
	[sflag:s28] =	ssyncadd.s32 @!p4 $0xFFFF8000  }
0x5e: {  	_ =	swait.ge @!p4 [sflag:s0], $0x80  }
0x5f: {  	[sflag:s0] =	ssyncset.done @!p4 $0x0  }
0x60: {  	[sflag:s0] =	ssyncadd.s32 @!p4 $0xFFFFFF80  }
0x61: {  	_ =	swait.ge @!p4 [sflag:s0], $0x80  }
0x62: {  	s24 =	simm.s32 @!p4 $0x0;
	[sflag:s0] =	ssyncset.done @!p4 $0x0  }
0x63: {  	s26 =	simm.s32 @!p4 $0x10000;
	[sflag:s0] =	ssyncadd.s32 @!p4 $0xFFFFFF80;
	s0 =	simm.s32 @!p4 $0x80  }
0x64: {  	[spmem:s2] =	stream.indirect.scatter.add.f32 @!p4 [tilespmem:s24], [sflag:$0x5], $0x80, s26, s0, $0xb8;
	[tilespmem:$0x1F300] =	vst v63  }
0x65: {  	s24 =	simm.s32 @!p4 $0x10200  }
0x66: {  	[spmem:s4] =	stream.indirect.scatter.add.f32 @!p4 [tilespmem:s24], [sflag:$0x5], $0x80, s26, s0, $0xb8;
	[tilespmem:$0x1F300] =	vst v63  }
0x67: {  	s29 =	simm.s32 @!p4 $0x4000;
	s28 =	rddreg [dreg:$0x6];
	s26 =	simm.s32 @!p4 $0x10080  }
0x68: {  	[spmem:s2] =	stream.indirect.scatter.add.f32 @!p4 [tilespmem:s29], [sflag:$0x5], $0x80, s26, s0, $0xb8;
	[tilespmem:$0x1F300] =	vst v63  }
0x69: {  	p3 =	sle.u32 s28, $0x0  }
0x6a: {  	[spmem:s4] =	stream.indirect.scatter.add.f32 @!p4 [tilespmem:s24], [sflag:$0x5], $0x80, s26, s0, $0xb8;
	[tilespmem:$0x1F300] =	vst v63  }
0x6b: {  	s0 =	simm.s32 @!p3 $0x5  }
0x6c: {  	_ =	swait.ge @!p3 [sflag:s0], $0x4000  }
0x6d: {  	[sflag:s0] =	ssyncset.done @!p3 $0x0  }
0x6e: {  	[sflag:s0] =	ssyncadd.s32 @!p3 $0xFFFFC000  }
0x6f: {  	_ =	swait.ge @!p3 [sflag:s0], $0x4000  }
0x70: {  	[sflag:s0] =	ssyncset.done @!p3 $0x0  }
0x71: {  	[sflag:s0] =	ssyncadd.s32 @!p3 $0xFFFFC000  }
0x72: {  	_ =	swait.ge @!p3 [sflag:s0], $0x4000  }
0x73: {  	[sflag:s0] =	ssyncset.done @!p3 $0x0  }
0x74: {  	[sflag:s0] =	ssyncadd.s32 @!p3 $0xFFFFC000  }
0x75: {  	p4 =	sle.u32 @!p3 s8, $0x2;
	_ =	swait.ge @!p3 [sflag:s0], $0x4000  }
0x76: {  	p4 =	por p4, p3;
	[sflag:s0] =	ssyncset.done @!p3 $0x0  }
0x77: {  	s24 =	simm.s32 @!p4 $0x0;
	s26 =	sshrl.u32 @!p4 s21, $0x3;
	[sflag:s0] =	ssyncadd.s32 @!p3 $0xFFFFC000  }
0x78: {  	[tilespmem:s24], [sflag:$0x1] =	stream.linear.gather @!p4 [hbm4b:s20+s24], $0x8000, $0x38;
	[tilespmem:$0x1F300] =	vst v63  }
0x79: {  	s28 =	simm.s32 @!p4 $0x10000;
	s0 =	sadd.s32 @!p4 s1, s26  }
0x7a: {  	[tilespmem:s28], [sflag:$0x3] =	stream.linear.gather @!p4 [hbm4b:s0+s24], $0x80, $0x38;
	[tilespmem:$0x1F300] =	vst v63  }
0x7b: {  	s0 =	sadd.s32 @!p4 s26, s11;
	s26 =	simm.s32 @!p4 $0x10080;
	s28 =	simm.s32 @!p3 $0x2  }
0x7c: {  	[tilespmem:s26], [sflag:$0x3] =	stream.linear.gather @!p4 [hbm4b:s0+s24], $0x80, $0x38;
	[tilespmem:$0x1F300] =	vst v63  }
0x7d: {  	_ =	swait.ge @!p3 [sflag:s28], $0x8000  }
0x7e: {  	[sflag:s28] =	ssyncset.done @!p3 $0x0  }
0x7f: {  	s0 =	simm.s32 @!p3 $0x4;
	[sflag:s28] =	ssyncadd.s32 @!p3 $0xFFFF8000  }
0x80: {  	_ =	swait.ge @!p3 [sflag:s0], $0x80  }
0x81: {  	[sflag:s0] =	ssyncset.done @!p3 $0x0  }
0x82: {  	[sflag:s0] =	ssyncadd.s32 @!p3 $0xFFFFFF80  }
0x83: {  	_ =	swait.ge @!p3 [sflag:s0], $0x80  }
0x84: {  	s31 =	simm.s32 @!p3 $0x80;
	s28 =	rddreg [dreg:$0x7]  }
0x85: {  	s24 =	simm.s32 @!p3 $0x10100;
	[sflag:s0] =	ssyncset.done @!p3 $0x0;
	p4 =	sne.s32 s28, $0x2  }
.Ltmp1:
0x86: {  	s26 =	simm.s32 @!p3 $0x8000;
	[sflag:s0] =	ssyncadd.s32 @!p3 $0xFFFFFF80;
	(pc) =	sbr.rel @!p4 .LBB2_5-.Ltmp1, $4  }
0x87: {  	[spmem:s2] =	stream.indirect.scatter.add.f32 @!p3 [tilespmem:s26], [sflag:$0x6], $0x80, s24, s31, $0xb8;
	[tilespmem:$0x1F300] =	vst v63  }
0x88: {  	s30 =	simm.s32 @!p3 $0xC000;
	s29 =	sadd.s32 $0x4000, s21;
	s0 =	simm.s32 @!p3 $0x10200  }
0x89: {  	[spmem:s4] =	stream.indirect.scatter.add.f32 @!p3 [tilespmem:s0], [sflag:$0x6], $0x80, s24, s31, $0xb8;
	[tilespmem:$0x1F300] =	vst v63  }
0x8a: {  	s28 =	sadd.s32 $0x40000, s20;
	s26 =	simm.s32 $0x2;
	s24 =	simm.s32 @!p3 $0x10180  }
.LBB2_4:
0x8b: {  	[spmem:s2] =	stream.indirect.scatter.add.f32 @!p3 [tilespmem:s30], [sflag:$0x6], $0x80, s24, s31, $0xb8;
	[tilespmem:$0x1F300] =	vst v63  }
0x8c: {  	p4 =	sge.u32 s26, s8;
	s30 =	smov.u32 s26  }
0x8d: {  	[spmem:s4] =	stream.indirect.scatter.add.f32 @!p3 [tilespmem:s0], [sflag:$0x6], $0x80, s24, s31, $0xb8;
	[tilespmem:$0x1F300] =	vst v63  }
0x8e: {  	p3 =	seq.s32 @!p4 s30, $0x0  }
0x8f: {  	s0 =	sadd.s32 @!p4 $0x1, s30;
	p3 =	por p3, p4  }
0x90: {  	p5 =	sge.u32 @!p4 s0, s8;
	s0 =	simm.s32 @!p3 $0x6  }
0x91: {  	_ =	swait.ge @!p3 [sflag:s0], $0x4000  }
0x92: {  	[sflag:s0] =	ssyncset.done @!p3 $0x0  }
0x93: {  	[sflag:s0] =	ssyncadd.s32 @!p3 $0xFFFFC000  }
0x94: {  	_ =	swait.ge @!p3 [sflag:s0], $0x4000  }
0x95: {  	[sflag:s0] =	ssyncset.done @!p3 $0x0  }
0x96: {  	[sflag:s0] =	ssyncadd.s32 @!p3 $0xFFFFC000  }
0x97: {  	_ =	swait.ge @!p3 [sflag:s0], $0x4000  }
0x98: {  	[sflag:s0] =	ssyncset.done @!p3 $0x0  }
0x99: {  	[sflag:s0] =	ssyncadd.s32 @!p3 $0xFFFFC000  }
0x9a: {  	_ =	swait.ge @!p3 [sflag:s0], $0x4000  }
0x9b: {  	p5 =	por p5, p4;
	[sflag:s0] =	ssyncset.done @!p3 $0x0  }
0x9c: {  	s24 =	sadd.s32 @!p5 $0xFFFE0000, s28;
	[sflag:s0] =	ssyncadd.s32 @!p3 $0xFFFFC000;
	s0 =	sadd.s32 @!p5 $0xFFFFE000, s29  }
0x9d: {  	s31 =	simm.s32 @!p5 $0x0;
	s25 =	simm.s32 @!p5 $0x8000;
	s0 =	sshrl.u32 @!p5 s0, $0x3  }
0x9e: {  	[tilespmem:s25], [sflag:$0x2] =	stream.linear.gather @!p5 [hbm4b:s24+s31], $0x8000, $0x38;
	[tilespmem:$0x1F300] =	vst v63  }
0x9f: {  	s25 =	simm.s32 @!p5 $0x10100;
	s24 =	sadd.s32 @!p5 s1, s0  }
0xa0: {  	[tilespmem:s25], [sflag:$0x4] =	stream.linear.gather @!p5 [hbm4b:s24+s31], $0x80, $0x38;
	[tilespmem:$0x1F300] =	vst v63  }
0xa1: {  	s0 =	sadd.s32 @!p5 s0, s11;
	s24 =	simm.s32 @!p5 $0x10180;
	s25 =	simm.s32 @!p4 $0x1  }
0xa2: {  	[tilespmem:s24], [sflag:$0x4] =	stream.linear.gather @!p5 [hbm4b:s0+s31], $0x80, $0x38;
	[tilespmem:$0x1F300] =	vst v63  }
0xa3: {  	_ =	swait.ge @!p4 [sflag:s25], $0x8000  }
0xa4: {  	[sflag:s25] =	ssyncset.done @!p4 $0x0  }
0xa5: {  	s0 =	simm.s32 @!p4 $0x3;
	[sflag:s25] =	ssyncadd.s32 @!p4 $0xFFFF8000  }
0xa6: {  	_ =	swait.ge @!p4 [sflag:s0], $0x80  }
0xa7: {  	[sflag:s0] =	ssyncset.done @!p4 $0x0  }
0xa8: {  	[sflag:s0] =	ssyncadd.s32 @!p4 $0xFFFFFF80  }
0xa9: {  	_ =	swait.ge @!p4 [sflag:s0], $0x80  }
0xaa: {  	s24 =	simm.s32 @!p4 $0x0;
	[sflag:s0] =	ssyncset.done @!p4 $0x0  }
0xab: {  	s25 =	simm.s32 @!p4 $0x10000;
	[sflag:s0] =	ssyncadd.s32 @!p4 $0xFFFFFF80;
	s0 =	simm.s32 @!p4 $0x80  }
0xac: {  	[spmem:s2] =	stream.indirect.scatter.add.f32 @!p4 [tilespmem:s24], [sflag:$0x5], $0x80, s25, s0, $0xb8;
	[tilespmem:$0x1F300] =	vst v63  }
0xad: {  	s24 =	simm.s32 @!p4 $0x10200  }
0xae: {  	[spmem:s4] =	stream.indirect.scatter.add.f32 @!p4 [tilespmem:s24], [sflag:$0x5], $0x80, s25, s0, $0xb8;
	[tilespmem:$0x1F300] =	vst v63  }
0xaf: {  	s3 =	simm.s32 @!p4 $0x4000;
	s31 =	rddreg [dreg:$0x6];
	s25 =	simm.s32 @!p4 $0x10080  }
0xb0: {  	[spmem:s2] =	stream.indirect.scatter.add.f32 @!p4 [tilespmem:s3], [sflag:$0x5], $0x80, s25, s0, $0xb8;
	[tilespmem:$0x1F300] =	vst v63  }
0xb1: {  	p3 =	sge.u32 s30, s31  }
0xb2: {  	[spmem:s4] =	stream.indirect.scatter.add.f32 @!p4 [tilespmem:s24], [sflag:$0x5], $0x80, s25, s0, $0xb8;
	[tilespmem:$0x1F300] =	vst v63  }
0xb3: {  	s0 =	simm.s32 @!p3 $0x5  }
0xb4: {  	_ =	swait.ge @!p3 [sflag:s0], $0x4000  }
0xb5: {  	[sflag:s0] =	ssyncset.done @!p3 $0x0  }
0xb6: {  	[sflag:s0] =	ssyncadd.s32 @!p3 $0xFFFFC000  }
0xb7: {  	_ =	swait.ge @!p3 [sflag:s0], $0x4000  }
0xb8: {  	[sflag:s0] =	ssyncset.done @!p3 $0x0  }
0xb9: {  	[sflag:s0] =	ssyncadd.s32 @!p3 $0xFFFFC000  }
0xba: {  	_ =	swait.ge @!p3 [sflag:s0], $0x4000  }
0xbb: {  	[sflag:s0] =	ssyncset.done @!p3 $0x0  }
0xbc: {  	s3 =	sadd.s32 @!p3 $0x2, s30;
	[sflag:s0] =	ssyncadd.s32 @!p3 $0xFFFFC000  }
0xbd: {  	p4 =	sge.u32 @!p3 s3, s8;
	_ =	swait.ge @!p3 [sflag:s0], $0x4000  }
0xbe: {  	p4 =	por p4, p3;
	[sflag:s0] =	ssyncset.done @!p3 $0x0  }
0xbf: {  	s3 =	simm.s32 @!p4 $0x0;
	s24 =	sshrl.u32 @!p4 s29, $0x3;
	[sflag:s0] =	ssyncadd.s32 @!p3 $0xFFFFC000  }
0xc0: {  	[tilespmem:s3], [sflag:$0x1] =	stream.linear.gather @!p4 [hbm4b:s28+s3], $0x8000, $0x38;
	[tilespmem:$0x1F300] =	vst v63  }
0xc1: {  	s25 =	simm.s32 @!p4 $0x10000;
	s0 =	sadd.s32 @!p4 s1, s24  }
0xc2: {  	[tilespmem:s25], [sflag:$0x3] =	stream.linear.gather @!p4 [hbm4b:s0+s3], $0x80, $0x38;
	[tilespmem:$0x1F300] =	vst v63  }
0xc3: {  	s30 =	simm.s32 @!p4 $0x10080;
	s24 =	sadd.s32 @!p4 s24, s11;
	s0 =	simm.s32 @!p3 $0x2  }
0xc4: {  	[tilespmem:s30], [sflag:$0x3] =	stream.linear.gather @!p4 [hbm4b:s24+s3], $0x80, $0x38;
	[tilespmem:$0x1F300] =	vst v63  }
0xc5: {  	_ =	swait.ge @!p3 [sflag:s0], $0x8000  }
0xc6: {  	[sflag:s0] =	ssyncset.done @!p3 $0x0  }
0xc7: {  	s3 =	simm.s32 @!p3 $0x4;
	[sflag:s0] =	ssyncadd.s32 @!p3 $0xFFFF8000  }
0xc8: {  	_ =	swait.ge @!p3 [sflag:s3], $0x80  }
0xc9: {  	[sflag:s3] =	ssyncset.done @!p3 $0x0  }
0xca: {  	[sflag:s3] =	ssyncadd.s32 @!p3 $0xFFFFFF80  }
0xcb: {  	_ =	swait.ge @!p3 [sflag:s3], $0x80  }
0xcc: {  	s26 =	sadd.s32 $0x2, s26;
	s9 =	rddreg [dreg:$0x7]  }
0xcd: {  	s31 =	simm.s32 @!p3 $0x80;
	s29 =	sadd.s32 $0x4000, s29;
	p4 =	sne.s32 s9, s26  }
.Ltmp2:
0xce: {  	s28 =	sadd.s32 $0x40000, s28;
	[sflag:s3] =	ssyncset.done @!p3 $0x0;
	(pc) =	sbr.rel @p4 .LBB2_4-.Ltmp2, $4  }
0xcf: {  	s25 =	simm.s32 @!p3 $0x10100;
	s24 =	simm.s32 @!p3 $0x8000;
	[sflag:s3] =	ssyncadd.s32 @!p3 $0xFFFFFF80  }
0xd0: {  	[spmem:s2] =	stream.indirect.scatter.add.f32 @!p3 [tilespmem:s24], [sflag:$0x6], $0x80, s25, s31, $0xb8;
	[tilespmem:$0x1F300] =	vst v63  }
0xd1: {  	s30 =	simm.s32 @!p3 $0xC000;
	s0 =	simm.s32 @!p3 $0x10200;
	s24 =	simm.s32 @!p3 $0x10180  }
0xd2: {  	[spmem:s4] =	stream.indirect.scatter.add.f32 @!p3 [tilespmem:s0], [sflag:$0x6], $0x80, s25, s31, $0xb8;
	[tilespmem:$0x1F300] =	vst v63  }
.LBB2_5:
0xd3: {  	[spmem:s2] =	stream.indirect.scatter.add.f32 @!p3 [tilespmem:s30], [sflag:$0x6], $0x80, s24, s31, $0xb8;
	[tilespmem:$0x1F300] =	vst v63  }
0xd4: {  	_ = 	snop  }
0xd5: {  	[spmem:s4] =	stream.indirect.scatter.add.f32 @!p3 [tilespmem:s0], [sflag:$0x6], $0x80, s24, s31, $0xb8;
	[tilespmem:$0x1F300] =	vst v63  }
0xd6: {  	s0 =	simm.s32 @p0 $0x5  }
0xd7: {  	_ =	swait.ge @p0 [sflag:s0], $0x4000  }
0xd8: {  	[sflag:s0] =	ssyncset.done @p0 $0x0  }
0xd9: {  	[sflag:s0] =	ssyncadd.s32 @p0 $0xFFFFC000  }
0xda: {  	_ =	swait.ge @p0 [sflag:s0], $0x4000  }
0xdb: {  	[sflag:s0] =	ssyncset.done @p0 $0x0  }
0xdc: {  	[sflag:s0] =	ssyncadd.s32 @p0 $0xFFFFC000  }
0xdd: {  	_ =	swait.ge @p0 [sflag:s0], $0x4000  }
0xde: {  	[sflag:s0] =	ssyncset.done @p0 $0x0  }
0xdf: {  	[sflag:s0] =	ssyncadd.s32 @p0 $0xFFFFC000  }
0xe0: {  	_ =	swait.ge @p0 [sflag:s0], $0x4000  }
0xe1: {  	[sflag:s0] =	ssyncset.done @p0 $0x0  }
0xe2: {  	[sflag:s0] =	ssyncadd.s32 @p0 $0xFFFFC000;
	s0 =	simm.s32 @!p1 $0x6  }
0xe3: {  	_ =	swait.ge @!p1 [sflag:s0], $0x4000  }
0xe4: {  	[sflag:s0] =	ssyncset.done @!p1 $0x0  }
0xe5: {  	[sflag:s0] =	ssyncadd.s32 @!p1 $0xFFFFC000  }
0xe6: {  	_ =	swait.ge @!p1 [sflag:s0], $0x4000  }
0xe7: {  	[sflag:s0] =	ssyncset.done @!p1 $0x0  }
0xe8: {  	[sflag:s0] =	ssyncadd.s32 @!p1 $0xFFFFC000  }
0xe9: {  	_ =	swait.ge @!p1 [sflag:s0], $0x4000  }
0xea: {  	[sflag:s0] =	ssyncset.done @!p1 $0x0  }
0xeb: {  	[sflag:s0] =	ssyncadd.s32 @!p1 $0xFFFFC000  }
0xec: {  	_ =	swait.ge @!p1 [sflag:s0], $0x4000  }
0xed: {  	s3 =	simm.s32 @!p2 $0x1B200;
	[sflag:s0] =	ssyncset.done @!p1 $0x0  }
0xee: {  	s9 =	simm.s32 @!p2 $0x7;
	[sflag:s0] =	ssyncadd.s32 @!p1 $0xFFFFC000;
	s0 =	simm.s32 @!p2 $0x0  }
0xef: {  	[tilespmem:s3], [sflag:$0x7] =	stream.linear.gather @!p2 [hbm4b:s13+s0], $0x80, $0x38;
	[tilespmem:$0x1F300] =	vst v63  }
0xf0: {  	_ =	swait.ge @!p2 [sflag:s9], $0x80  }
0xf1: {  	[sflag:s9] =	ssyncset.done @!p2 $0x0  }
0xf2: {  	s24 =	simm.s32 @!p2 $0x16200;
	[sflag:s9] =	ssyncadd.s32 @!p2 $0xFFFFFF80  }
0xf3: {  	[tilespmem:s24], [sflag:$0x7] =	stream.linear.gather @!p2 [hbm4b:s14+s0], $0x4000, $0x38;
	[tilespmem:$0x1F300] =	vst v63  }
0xf4: {  	_ =	swait.ge @!p2 [sflag:s9], $0x4000  }
0xf5: {  	[sflag:s9] =	ssyncset.done @!p2 $0x0  }
0xf6: {  	s25 =	simm.s32 @!p2 $0x80;
	[sflag:s9] =	ssyncadd.s32 @!p2 $0xFFFFC000  }
0xf7: {  	[spmem:s2] =	stream.indirect.scatter.add.f32 @!p2 [tilespmem:s24], [sflag:$0x7], $0x80, s3, s25, $0xb8;
	[tilespmem:$0x1F300] =	vst v63  }
0xf8: {  	_ =	swait.ge @!p2 [sflag:s9], $0x4000  }
0xf9: {  	[sflag:s9] =	ssyncset.done @!p2 $0x0  }
0xfa: {  	s24 =	simm.s32 @!p2 $0x10200;
	[sflag:s9] =	ssyncadd.s32 @!p2 $0xFFFFC000  }
0xfb: {  	[spmem:s4] =	stream.indirect.scatter.add.f32 @!p2 [tilespmem:s24], [sflag:$0x7], $0x80, s3, s25, $0xb8;
	[tilespmem:$0x1F300] =	vst v63  }
0xfc: {  	_ =	swait.ge @!p2 [sflag:s9], $0x4000  }
0xfd: {  	[sflag:s9] =	ssyncset.done @!p2 $0x0  }
0xfe: {  	s3 =	simm.s32 @!p2 $0x1B280;
	[sflag:s9] =	ssyncadd.s32 @!p2 $0xFFFFC000  }
0xff: {  	[tilespmem:s3], [sflag:$0x7] =	stream.linear.gather @!p2 [hbm4b:s15+s0], $0x20, $0x38;
	[tilespmem:$0x1F300] =	vst v63  }
0x100: {  	_ =	swait.ge @!p2 [sflag:s9], $0x20  }
0x101: {  	[sflag:s9] =	ssyncset.done @!p2 $0x0  }
0x102: {  	s25 =	simm.s32 @!p2 $0x1A200;
	[sflag:s9] =	ssyncadd.s32 @!p2 $0xFFFFFFE0  }
0x103: {  	[tilespmem:s25], [sflag:$0x7] =	stream.linear.gather @!p2 [hbm4b:s16+s0], $0x1000, $0x38;
	[tilespmem:$0x1F300] =	vst v63  }
0x104: {  	_ =	swait.ge @!p2 [sflag:s9], $0x1000  }
0x105: {  	[sflag:s9] =	ssyncset.done @!p2 $0x0  }
0x106: {  	s0 =	simm.s32 @!p2 $0x20;
	[sflag:s9] =	ssyncadd.s32 @!p2 $0xFFFFF000  }
0x107: {  	[spmem:s2] =	stream.indirect.scatter.add.f32 @!p2 [tilespmem:s25], [sflag:$0x7], $0x80, s3, s0, $0xb8;
	[tilespmem:$0x1F300] =	vst v63  }
0x108: {  	_ =	swait.ge @!p2 [sflag:s9], $0x1000  }
0x109: {  	[sflag:s9] =	ssyncset.done @!p2 $0x0  }
0x10a: {  	[sflag:s9] =	ssyncadd.s32 @!p2 $0xFFFFF000  }
0x10b: {  	[spmem:s4] =	stream.indirect.scatter.add.f32 @!p2 [tilespmem:s24], [sflag:$0x7], $0x80, s3, s0, $0xb8;
	[tilespmem:$0x1F300] =	vst v63  }
0x10c: {  	_ =	swait.ge @!p2 [sflag:s9], $0x1000  }
0x10d: {  	s29 =	stileid.u32;
	[sflag:s9] =	ssyncset.done @!p2 $0x0  }
0x10e: {  	s0 =	sshll.u32 s29, $0x6;
	[sflag:s9] =	ssyncadd.s32 @!p2 $0xFFFFF000  }
0x10f: {  	s30 =	sshrl.u32 s6, $0x3;
	s0 =	sor.u32 $0x1C07, s0;
	[bflag:$0x0] =	sbarrier.arrive $0xFFFF  }
0x110: {  	[hbm:s17], [sflag:s0] =	dma.local [spmem:s30], $0x400  }
0x111: {  	s5 =	sadd.s32 $0x1, s5;
	_ =	swait.ge [sflag:s23], $0x400  }
0x112: {  	p3 =	sne.s32 s5, s19;
	[sflag:s23] =	ssyncset.done $0x0  }
.Ltmp3:
0x113: {  	s31 =	sshrl.u32 s7, $0x3;
	[sflag:s23] =	ssyncadd.s32 $0xFFFFFC00;
	(pc) =	sbr.rel @p3 .LBB2_1-.Ltmp3, $4  }
0x114: {  	[hbm:s18], [sflag:s0] =	dma.local [spmem:s31], $0x400  }
0x115: {  	_ =	swait.ge [sflag:s23], $0x400  }
0x116: {  	[sflag:s23] =	ssyncset.done $0x0  }
0x117: {  	[sflag:s23] =	ssyncadd.s32 $0xFFFFFC00  }
0x118: {  	_ =	sfence.sel $0x180000  }
0x119: {  	[bflag:$0x0] =	sbarrier.arrive $0xFFFF  }
0x11a: {  	_ =	strace $0x90000047  }
0x11b: {  	s0 =	stileid.u32;
	[bflag:$0x2] =	sbarrier.arrive $0xFFFF  }
0x11c: {  	p0 =	sne.s32 s0, $0x0;
	s0 =	rddreg [dreg:$0x5]  }
0x11d: {  	s0 =	sadd.s32 @!p0 $0x100000, s0  }
0x11e: {  	[sflag:s0] =	ssyncadd.tile.s32 @!p0 $0x1;
	_ =	shalt  }
.Lfunc_end2:
_tile_overlayer_lowered:
.L_overlay_start_2:
0x11f: {  	(tag) =	ssettag $0x2  }
0x120: {  	s0 =	rddreg [dreg:$0x0];
	s2 =	stileid.u32  }
0x121: {  	s1 =	rddreg [dreg:$0x1];
	p0 =	sne.s32 s2, $0x0  }
0x122: {  	s3 =	rddreg [dreg:$0x2];
	[bflag:$0x3] =	sbarrier.arrive $0xFFFF;
	s2 =	simm.s32 @!p0 $0x1C07  }
0x123: {  	[timem:s3], [sflag:s2] =	dma.local @!p0 [hbm:s0], s1  }
0x124: {  	s0 =	simm.s32 @!p0 $0x7  }
0x125: {  	_ =	swait.ge @!p0 [sflag:s0], s1  }
0x126: {  	s1 =	ssub.s32 @!p0 $0x0, s1;
	[sflag:s0] =	ssyncset.done @!p0 $0x0  }
0x127: {  	[sflag:s0] =	ssyncadd.s32 @!p0 s1  }
0x128: {  	[bflag:$0x3] =	sbarrier.arrive $0xFFFF  }
0x129: {  	_ =	shalt  }

</sc_bundles>
